<compile_context>
chip_gen: v7x
topology: tpu7x:2x2x1
jax: 0.10.2.dev20260603
libtpu: 0.0.44.dev20260713+nightly
codegen_flags: <defaults>
</compile_context>

<pallas_src>
import functools

import jax
import jax.numpy as jnp
from jax import lax
from jax.experimental import pallas as pl
from jax.experimental.pallas import tpu as pltpu
from jax.experimental.pallas import tpu_sc as plsc

B = 4096
D = 64
NSMALL = 4
NSONG = 1000000


_TBLK = 2048


def _pad_t_body(i0, i1, i2, o0, o1, o2):
    for i_ref, o_ref in ((i0, o0), (i1, o1), (i2, o2)):
        o_ref[:, :D] = i_ref[...].T


def _make_pad_t(n):
    grid = (n + _TBLK - 1) // _TBLK
    ispec = pl.BlockSpec((D, _TBLK), lambda i: (0, i))
    ospec = pl.BlockSpec((_TBLK, 2 * D), lambda i: (i, 0))
    oshape = jax.ShapeDtypeStruct((n, 2 * D), jnp.float32)
    return pl.pallas_call(
        _pad_t_body,
        grid=(grid,),
        in_specs=[ispec, ispec, ispec],
        out_specs=[ospec, ospec, ospec],
        out_shape=[oshape, oshape, oshape],
        compiler_params=pltpu.CompilerParams(
            dimension_semantics=("arbitrary",),
        ),
    )


def _make_sc_small_gather():
    info = plsc.get_sparse_core_info()
    nw = info.num_cores * info.num_subcores
    bpw = B // nw

    mesh = plsc.VectorSubcoreMesh(core_axis_name="c", subcore_axis_name="s")

    @functools.partial(
        pl.kernel,
        mesh=mesh,
        out_type=jax.ShapeDtypeStruct((NSMALL, B, 2 * D), jnp.float32),
        scratch_types=[
            pltpu.VMEM((bpw,), jnp.int32),
            pltpu.VMEM((bpw, 2 * D), jnp.float32),
            pltpu.SemaphoreType.DMA,
        ],
        compiler_params=pltpu.CompilerParams(skip_device_barrier=True),
    )
    def gather_kernel(t0, t1, t2, t3, i0, i1, i2, i3,
                      out, idx_v, rows_v, sem):
        wid = lax.axis_index("s") * info.num_cores + lax.axis_index("c")
        base = wid * bpw
        for t, (tbl, ids) in enumerate(
                ((t0, i0), (t1, i1), (t2, i2), (t3, i3))):
            pltpu.sync_copy(ids.at[pl.ds(base, bpw)], idx_v)
            pltpu.async_copy(tbl.at[idx_v], rows_v, sem).wait()
            pltpu.sync_copy(rows_v, out.at[t, pl.ds(base, bpw), :])

    return gather_kernel


def _make_sc_song_gather():
    info = plsc.get_sparse_core_info()
    nw = info.num_cores * info.num_subcores
    bpw = B // nw

    mesh = plsc.VectorSubcoreMesh(core_axis_name="c", subcore_axis_name="s")

    @functools.partial(
        pl.kernel,
        mesh=mesh,
        out_type=jax.ShapeDtypeStruct((B * D,), jnp.float32),
        scratch_types=[
            pltpu.VMEM((bpw + 32,), jnp.int32),
            pltpu.VMEM((12, 8, 8, 128), jnp.float32),
            pltpu.VMEM((bpw * D,), jnp.float32),
            pltpu.SemaphoreType.DMA,
        ],
        compiler_params=pltpu.CompilerParams(needs_layout_passes=False,
                                             skip_device_barrier=True),
    )
    def song_kernel(v3, ids, out, idx_v, bufs, out_v, sem):
        wid = lax.axis_index("s") * info.num_cores + lax.axis_index("c")
        base = wid * bpw
        pltpu.sync_copy(ids.at[pl.ds(base, bpw)], idx_v.at[pl.ds(0, bpw)])
        f16 = lax.iota(jnp.int32, 16)
        NB, AHEAD = 12, 11

        def idx_at(j):
            vec = idx_v[pl.ds(j, 16)]
            return jnp.squeeze(lax.slice(vec, (0,), (1,)))

        def fire(j, b, sem):
            col = pl.multiple_of((idx_at(j) >> 7) * 128, 128)
            pltpu.make_async_copy(
                v3.at[:, :, pl.ds(col, 128)], bufs.at[b], sem).start()

        for j in range(AHEAD):
            fire(j, j, sem)

        def body(j, _):
            pltpu.make_async_copy(
                v3.at[:, :, pl.ds(0, 128)], bufs.at[0], sem).wait()
            r = idx_at(j)
            lane_vec = jnp.full((16,), r & 127, jnp.int32)
            b_vec = jnp.full((16,), j % NB, jnp.int32)
            for g in range(4):
                f = f16 + (16 * g)
                vals = plsc.load_gather(
                    bufs, [b_vec, f >> 3, f & 7, lane_vec])
                out_v[pl.ds(j * D + 16 * g, 16)] = vals

            @pl.when(j + AHEAD < bpw)
            def _():
                fire(j + AHEAD, (j + AHEAD) % NB, sem)

            return 0

        lax.fori_loop(0, bpw, body, 0)
        pltpu.sync_copy(out_v, out.at[pl.ds(base * D, bpw * D)])

    return song_kernel


_sc_cached = {}


def _get_sc(name):
    if name not in _sc_cached:
        _sc_cached[name] = (_make_sc_small_gather() if name == "small"
                            else _make_sc_song_gather())
    return _sc_cached[name]


_BM = 512


def _mlp_body(x_ref, se_ref, pc_ref, wf_ref, wt1p_ref, wts_ref, w1pc_ref,
              b1_ref, wt2_ref, b2_ref, wt3_ref, b3_ref, v3_ref, ww_ref,
              c_ref, out_ref):
    f32 = jnp.float32
    a1 = pc_ref[...] * w1pc_ref[...] + b1_ref[...]
    for t in range(NSMALL):
        a1 = a1 + jnp.dot(x_ref[t][:, :D], wt1p_ref[t],
                          preferred_element_type=f32)
    a1 = a1 + jnp.dot(se_ref[...], wts_ref[...], preferred_element_type=f32)
    h1 = jnp.maximum(a1, 0.0)
    a2 = jnp.dot(h1, wt2_ref[...], preferred_element_type=f32) + b2_ref[...]
    h2 = jnp.maximum(a2, 0.0)
    a3 = jnp.dot(h2, wt3_ref[...], preferred_element_type=f32) + b3_ref[...]
    h3 = jnp.maximum(a3, 0.0)
    out = jnp.dot(h3, v3_ref[...], preferred_element_type=f32)
    out = out + jnp.dot(wf_ref[...], ww_ref[...], preferred_element_type=f32)
    out_ref[...] = out + c_ref[...]


def _full(shape):
    nd = len(shape)
    return pl.BlockSpec(shape, lambda i: (0,) * nd)


def _make_mlp_call(interpret=False):
    return pl.pallas_call(
        _mlp_body,
        grid=(B // _BM,),
        in_specs=[
            pl.BlockSpec((NSMALL, _BM, 2 * D), lambda i: (0, i, 0)),
            pl.BlockSpec((_BM, D), lambda i: (i, 0)),
            pl.BlockSpec((_BM, 1), lambda i: (i, 0)),
            pl.BlockSpec((_BM, 5), lambda i: (i, 0)),
            _full((NSMALL, D, 256)),
            _full((D, 256)),
            _full((1, 256)),
            _full((1, 256)),
            _full((256, 128)),
            _full((1, 128)),
            _full((128, 64)),
            _full((1, 64)),
            _full((64, 1)),
            _full((5, 1)),
            _full((1, 1)),
        ],
        out_specs=pl.BlockSpec((_BM, 1), lambda i: (i, 0)),
        out_shape=jax.ShapeDtypeStruct((B, 1), jnp.float32),
        compiler_params=pltpu.CompilerParams(
            dimension_semantics=("arbitrary",),
        ),
        interpret=interpret,
    )


_mlp_call = _make_mlp_call()


def kernel(wide_features, user_ids, song_ids, artist_ids, release_ids,
           year_ids, play_count, user_table, song_table, artist_table,
           release_table, year_table, W_wide, b_wide, W1, b1, g1, be1, mu1,
           var1, W2, b2, g2, be2, mu2, var2, W3, b3, g3, be3, mu3, var3,
           W_final, b_final):
    f32 = jnp.float32
    eps = 1e-5

    song_v3 = song_table.T.reshape(8, 8, NSONG)
    song_flat = _get_sc("song")(song_v3, song_ids.astype(jnp.int32))
    se = song_flat.reshape(B, D)

    up, ap, rp = _make_pad_t(100000)(
        user_table.T, artist_table.T, release_table.T)
    yp = jnp.pad(year_table.astype(f32), ((0, 0), (0, D)))
    ids4 = [x.astype(jnp.int32) for x in
            (user_ids, artist_ids, release_ids, year_ids)]
    x4 = _get_sc("small")(up, ap, rp, yp, *ids4)

    s1 = g1 / jnp.sqrt(var1 + eps)
    sh1 = be1 - mu1 * s1
    s2 = g2 / jnp.sqrt(var2 + eps)
    sh2 = be2 - mu2 * s2
    s3 = g3 / jnp.sqrt(var3 + eps)
    sh3 = be3 - mu3 * s3

    w1t = W1.T.astype(f32)
    wt1p = jnp.stack([w1t[0 * D:1 * D], w1t[2 * D:3 * D],
                      w1t[3 * D:4 * D], w1t[4 * D:5 * D]])
    wts = w1t[1 * D:2 * D]
    w1pc = w1t[5 * D:]
    b1r = b1[None, :].astype(f32)

    wt2 = (W2 * s1[None, :]).T.astype(f32)
    b2f = (b2 + W2 @ sh1)[None, :].astype(f32)
    wt3 = (W3 * s2[None, :]).T.astype(f32)
    b3f = (b3 + W3 @ sh2)[None, :].astype(f32)

    wf_emb = W_final[0, :D]
    v3 = (s3 * wf_emb)[:, None].astype(f32)
    ww = (W_wide[0] * W_final[0, D])[:, None].astype(f32)
    c = (b_final[0] + sh3 @ wf_emb + b_wide[0] * W_final[0, D])
    c = jnp.reshape(c, (1, 1)).astype(f32)

    pc = play_count[:, None].astype(f32)

    return _mlp_call(x4, se, pc, wide_features.astype(f32), wt1p, wts, w1pc,
                     b1r, wt2, b2f, wt3, b3f, v3, ww, c)

# --- scband reference (transcript-rebuilt; emitter-appended) ---
"""Pipeline reference for scband-wide-and-deep-model-82429012345295 (READ-ONLY COPY).

The authoritative reference and input builder live on the scoring server;
editing this copy changes nothing except your own understanding.
"""

import jax, jax.numpy as jnp
import numpy as np

NU, NS, NA, NR, NY = 100000, 1000000, 100000, 100000, 100
B, D = 4096, 64
H = [256, 128, 64]
DIN = D * 5 + 1

def setup_inputs(seed: int = 0):
    key = jax.random.key(seed)
    ks = jax.random.split(key, 32)
    inp = {}
    inp["wide_features"] = jax.random.normal(ks[0], (B, 5), jnp.float32)
    inp["user_ids"] = jax.random.randint(ks[1], (B,), 0, NU)
    inp["song_ids"] = jax.random.randint(ks[2], (B,), 0, NS)
    inp["artist_ids"] = jax.random.randint(ks[3], (B,), 0, NA)
    inp["release_ids"] = jax.random.randint(ks[4], (B,), 0, NR)
    inp["year_ids"] = jax.random.randint(ks[5], (B,), 0, NY)
    inp["play_count"] = jax.random.uniform(ks[6], (B,), jnp.float32)
    inp["user_table"] = jax.random.normal(ks[7], (NU, D), jnp.float32)
    inp["song_table"] = jax.random.normal(ks[8], (NS, D), jnp.float32)
    inp["artist_table"] = jax.random.normal(ks[9], (NA, D), jnp.float32)
    inp["release_table"] = jax.random.normal(ks[10], (NR, D), jnp.float32)
    inp["year_table"] = jax.random.normal(ks[11], (NY, D), jnp.float32)
    inp["W_wide"] = jax.random.normal(ks[12], (1, 5), jnp.float32) * 0.1
    inp["b_wide"] = jnp.zeros((1,), jnp.float32)
    dims = [DIN] + H
    for i in range(3):
        inp["W%d" % (i + 1)] = jax.random.normal(ks[13 + i], (dims[i + 1], dims[i]), jnp.float32) * (1.0 / np.sqrt(dims[i]))
        inp["b%d" % (i + 1)] = jnp.zeros((dims[i + 1],), jnp.float32)
        inp["g%d" % (i + 1)] = jnp.ones((dims[i + 1],), jnp.float32)
        inp["be%d" % (i + 1)] = jnp.zeros((dims[i + 1],), jnp.float32)
        inp["mu%d" % (i + 1)] = jnp.zeros((dims[i + 1],), jnp.float32)
        inp["var%d" % (i + 1)] = jnp.ones((dims[i + 1],), jnp.float32)
    inp["W_final"] = jax.random.normal(ks[16], (1, H[-1] + 1), jnp.float32) * 0.1
    inp["b_final"] = jnp.zeros((1,), jnp.float32)
    return inp

def _bn(x, g, b, mu, var, eps=1e-5):
    return (x - mu) / jnp.sqrt(var + eps) * g + b

def reference(wide_features, user_ids, song_ids, artist_ids, release_ids, year_ids, play_count, user_table, song_table, artist_table, release_table, year_table, W_wide, b_wide, W1, b1, g1, be1, mu1, var1, W2, b2, g2, be2, mu2, var2, W3, b3, g3, be3, mu3, var3, W_final, b_final):
    wide_out = wide_features @ W_wide.T + b_wide
    ue = jnp.take(user_table, user_ids, axis=0)
    se = jnp.take(song_table, song_ids, axis=0)
    ae = jnp.take(artist_table, artist_ids, axis=0)
    re = jnp.take(release_table, release_ids, axis=0)
    ye = jnp.take(year_table, year_ids, axis=0)
    x = jnp.concatenate([ue, se, ae, re, ye, play_count[:, None]], axis=1)
    for (W, b, g, be, mu, var) in ((W1, b1, g1, be1, mu1, var1), (W2, b2, g2, be2, mu2, var2), (W3, b3, g3, be3, mu3, var3)):
        x = _bn(jax.nn.relu(x @ W.T + b), g, be, mu, var)
    return jnp.concatenate([x, wide_out], axis=1) @ W_final.T + b_final

if __name__ == "__main__":
    import jax
    _d = setup_inputs()
    print(jax.jit(kernel)(*tuple(_d.values())))

</pallas_src>

<mosaic_0001>
#map = affine_map<(d0, d1) -> (0, 0)>
#map1 = affine_map<(d0, d1) -> (0)>
#map2 = affine_map<(d0, d1) -> (0, 0, 0)>
module attributes {stable_mosaic.version = 14 : i64} {
  func.func @gather_kernel(%arg0: i32, %arg1: i32, %arg2: memref<100000x128xf32, #tpu.memory_space<hbm>>, %arg3: memref<100000x128xf32, #tpu.memory_space<hbm>>, %arg4: memref<100000x128xf32, #tpu.memory_space<hbm>>, %arg5: memref<100x128xf32, #tpu.memory_space<hbm>>, %arg6: memref<4096xi32, #tpu.memory_space<hbm>>, %arg7: memref<4096xi32, #tpu.memory_space<hbm>>, %arg8: memref<4096xi32, #tpu.memory_space<hbm>>, %arg9: memref<4096xi32, #tpu.memory_space<hbm>>, %arg10: memref<4x4096x128xf32, #tpu.memory_space<hbm>>, %arg11: memref<128xi32, #tpu.memory_space<vmem>>, %arg12: memref<128x128xf32, #tpu.memory_space<vmem>>, %arg13: memref<!tpu.dma_semaphore, #tpu.memory_space<semaphore_mem>>) attributes {dimension_semantics = [#tpu.dimension_semantics<core_parallel>, #tpu.dimension_semantics<subcore_parallel>], iteration_bounds = array<i64: 2, 16>, scalar_prefetch = 0 : i64, scratch_operands = 3 : i64, tpu.core_type = #tpu.core_type<sc_vector_subcore>, window_params = [{transform_indices = #map}, {transform_indices = #map}, {transform_indices = #map}, {transform_indices = #map}, {transform_indices = #map1}, {transform_indices = #map1}, {transform_indices = #map1}, {transform_indices = #map1}, {transform_indices = #map2}]} {
    %mul3A = arith.constant 2 : i32
    %mul3A_0 = arith.muli %arg1, %mul3A : i32
    %add3A = arith.addi %mul3A_0, %arg0 : i32
    %mul3A_1 = arith.constant 128 : i32
    %mul3A_2 = arith.muli %add3A, %mul3A_1 : i32
    "tpu.region"() ({
      %run_scoped3A_28 = tpu.sem_alloc : memref<!tpu.dma_semaphore, #tpu.memory_space<semaphore_mem>>
      %dma_start3A_29 = tpu.memref_slice %arg6[%mul3A_2] : memref<4096xi32, #tpu.memory_space<hbm>> -> memref<128xi32, #tpu.memory_space<hbm>>
      %dma_start3A_30 = tpu.memref_slice %arg6[%mul3A_2] : memref<4096xi32, #tpu.memory_space<hbm>> -> memref<128xi32, #tpu.memory_space<hbm>>
      tpu.enqueue_dma source(%dma_start3A_30 : memref<128xi32, #tpu.memory_space<hbm>>) target(%arg11 : memref<128xi32, #tpu.memory_space<vmem>>) target_semaphore(%run_scoped3A_28 : memref<!tpu.dma_semaphore, #tpu.memory_space<semaphore_mem>>)
      %dma_wait3A_31 = tpu.memref_slice %arg6[%mul3A_2] : memref<4096xi32, #tpu.memory_space<hbm>> -> memref<128xi32, #tpu.memory_space<hbm>>
      %dma_wait3A_32 = tpu.memref_slice %arg6[%mul3A_2] : memref<4096xi32, #tpu.memory_space<hbm>> -> memref<128xi32, #tpu.memory_space<hbm>>
      tpu.wait_dma2 semaphore(%run_scoped3A_28 : memref<!tpu.dma_semaphore, #tpu.memory_space<semaphore_mem>>) src(%dma_wait3A_32 : memref<128xi32, #tpu.memory_space<hbm>>) dst(%arg11 : memref<128xi32, #tpu.memory_space<vmem>>)
      tpu.yield
    }) : () -> ()
    %dma_start3A = arith.constant 0 : i32
    %dma_start3A_3 = arith.constant 0 : i32
    %dma_start3A_4 = tpu.memref_slice %arg2[%dma_start3A, %dma_start3A_3] : memref<100000x128xf32, #tpu.memory_space<hbm>> -> memref<100000x128xf32, #tpu.memory_space<hbm>>
    tpu.enqueue_indirect_dma source(%dma_start3A_4 : memref<100000x128xf32, #tpu.memory_space<hbm>>) target(%arg12 : memref<128x128xf32, #tpu.memory_space<vmem>>) offsets(%arg11 : memref<128xi32, #tpu.memory_space<vmem>>) semaphore(%arg13 : memref<!tpu.dma_semaphore, #tpu.memory_space<semaphore_mem>>)
    %dma_wait3A = arith.constant 0 : i32
    %dma_wait3A_5 = arith.constant 0 : i32
    %dma_wait3A_6 = tpu.memref_slice %arg2[%dma_wait3A, %dma_wait3A_5] : memref<100000x128xf32, #tpu.memory_space<hbm>> -> memref<100000x128xf32, #tpu.memory_space<hbm>>
    tpu.wait_indirect_dma semaphore(%arg13 : memref<!tpu.dma_semaphore, #tpu.memory_space<semaphore_mem>>) src(%dma_wait3A_6 : memref<100000x128xf32, #tpu.memory_space<hbm>>) dst(%arg12 : memref<128x128xf32, #tpu.memory_space<vmem>>)
    %run_scoped3A = arith.constant 0 : i32
    "tpu.region"() ({
      %run_scoped3A_28 = tpu.sem_alloc : memref<!tpu.dma_semaphore, #tpu.memory_space<semaphore_mem>>
      %dma_start3A_29 = arith.constant 0 : i32
      %dma_start3A_30 = tpu.memref_slice %arg10[%run_scoped3A, %mul3A_2, %dma_start3A_29] : memref<4x4096x128xf32, #tpu.memory_space<hbm>> -> memref<1x128x128xf32, #tpu.memory_space<hbm>>
      %dma_start3A_31 = tpu.memref_squeeze %dma_start3A_30 : memref<1x128x128xf32, #tpu.memory_space<hbm>> -> memref<128x128xf32, #tpu.memory_space<hbm>>
      %dma_start3A_32 = arith.constant 0 : i32
      %dma_start3A_33 = tpu.memref_slice %arg10[%run_scoped3A, %mul3A_2, %dma_start3A_32] : memref<4x4096x128xf32, #tpu.memory_space<hbm>> -> memref<1x128x128xf32, #tpu.memory_space<hbm>>
      %dma_start3A_34 = tpu.memref_squeeze %dma_start3A_33 : memref<1x128x128xf32, #tpu.memory_space<hbm>> -> memref<128x128xf32, #tpu.memory_space<hbm>>
      tpu.enqueue_dma source(%arg12 : memref<128x128xf32, #tpu.memory_space<vmem>>) target(%dma_start3A_34 : memref<128x128xf32, #tpu.memory_space<hbm>>) target_semaphore(%run_scoped3A_28 : memref<!tpu.dma_semaphore, #tpu.memory_space<semaphore_mem>>)
      %dma_wait3A_35 = arith.constant 0 : i32
      %dma_wait3A_36 = tpu.memref_slice %arg10[%run_scoped3A, %mul3A_2, %dma_wait3A_35] : memref<4x4096x128xf32, #tpu.memory_space<hbm>> -> memref<1x128x128xf32, #tpu.memory_space<hbm>>
      %dma_wait3A_37 = tpu.memref_squeeze %dma_wait3A_36 : memref<1x128x128xf32, #tpu.memory_space<hbm>> -> memref<128x128xf32, #tpu.memory_space<hbm>>
      %dma_wait3A_38 = arith.constant 0 : i32
      %dma_wait3A_39 = tpu.memref_slice %arg10[%run_scoped3A, %mul3A_2, %dma_wait3A_38] : memref<4x4096x128xf32, #tpu.memory_space<hbm>> -> memref<1x128x128xf32, #tpu.memory_space<hbm>>
      %dma_wait3A_40 = tpu.memref_squeeze %dma_wait3A_39 : memref<1x128x128xf32, #tpu.memory_space<hbm>> -> memref<128x128xf32, #tpu.memory_space<hbm>>
      tpu.wait_dma2 semaphore(%run_scoped3A_28 : memref<!tpu.dma_semaphore, #tpu.memory_space<semaphore_mem>>) src(%arg12 : memref<128x128xf32, #tpu.memory_space<vmem>>) dst(%dma_wait3A_40 : memref<128x128xf32, #tpu.memory_space<hbm>>)
      tpu.yield
    }) : () -> ()
    "tpu.region"() ({
      %run_scoped3A_28 = tpu.sem_alloc : memref<!tpu.dma_semaphore, #tpu.memory_space<semaphore_mem>>
      %dma_start3A_29 = tpu.memref_slice %arg7[%mul3A_2] : memref<4096xi32, #tpu.memory_space<hbm>> -> memref<128xi32, #tpu.memory_space<hbm>>
      %dma_start3A_30 = tpu.memref_slice %arg7[%mul3A_2] : memref<4096xi32, #tpu.memory_space<hbm>> -> memref<128xi32, #tpu.memory_space<hbm>>
      tpu.enqueue_dma source(%dma_start3A_30 : memref<128xi32, #tpu.memory_space<hbm>>) target(%arg11 : memref<128xi32, #tpu.memory_space<vmem>>) target_semaphore(%run_scoped3A_28 : memref<!tpu.dma_semaphore, #tpu.memory_space<semaphore_mem>>)
      %dma_wait3A_31 = tpu.memref_slice %arg7[%mul3A_2] : memref<4096xi32, #tpu.memory_space<hbm>> -> memref<128xi32, #tpu.memory_space<hbm>>
      %dma_wait3A_32 = tpu.memref_slice %arg7[%mul3A_2] : memref<4096xi32, #tpu.memory_space<hbm>> -> memref<128xi32, #tpu.memory_space<hbm>>
      tpu.wait_dma2 semaphore(%run_scoped3A_28 : memref<!tpu.dma_semaphore, #tpu.memory_space<semaphore_mem>>) src(%dma_wait3A_32 : memref<128xi32, #tpu.memory_space<hbm>>) dst(%arg11 : memref<128xi32, #tpu.memory_space<vmem>>)
      tpu.yield
    }) : () -> ()
    %dma_start3A_7 = arith.constant 0 : i32
    %dma_start3A_8 = arith.constant 0 : i32
    %dma_start3A_9 = tpu.memref_slice %arg3[%dma_start3A_7, %dma_start3A_8] : memref<100000x128xf32, #tpu.memory_space<hbm>> -> memref<100000x128xf32, #tpu.memory_space<hbm>>
    tpu.enqueue_indirect_dma source(%dma_start3A_9 : memref<100000x128xf32, #tpu.memory_space<hbm>>) target(%arg12 : memref<128x128xf32, #tpu.memory_space<vmem>>) offsets(%arg11 : memref<128xi32, #tpu.memory_space<vmem>>) semaphore(%arg13 : memref<!tpu.dma_semaphore, #tpu.memory_space<semaphore_mem>>)
    %dma_wait3A_10 = arith.constant 0 : i32
    %dma_wait3A_11 = arith.constant 0 : i32
    %dma_wait3A_12 = tpu.memref_slice %arg3[%dma_wait3A_10, %dma_wait3A_11] : memref<100000x128xf32, #tpu.memory_space<hbm>> -> memref<100000x128xf32, #tpu.memory_space<hbm>>
    tpu.wait_indirect_dma semaphore(%arg13 : memref<!tpu.dma_semaphore, #tpu.memory_space<semaphore_mem>>) src(%dma_wait3A_12 : memref<100000x128xf32, #tpu.memory_space<hbm>>) dst(%arg12 : memref<128x128xf32, #tpu.memory_space<vmem>>)
    %run_scoped3A_13 = arith.constant 1 : i32
    "tpu.region"() ({
      %run_scoped3A_28 = tpu.sem_alloc : memref<!tpu.dma_semaphore, #tpu.memory_space<semaphore_mem>>
      %dma_start3A_29 = arith.constant 0 : i32
      %dma_start3A_30 = tpu.memref_slice %arg10[%run_scoped3A_13, %mul3A_2, %dma_start3A_29] : memref<4x4096x128xf32, #tpu.memory_space<hbm>> -> memref<1x128x128xf32, #tpu.memory_space<hbm>>
      %dma_start3A_31 = tpu.memref_squeeze %dma_start3A_30 : memref<1x128x128xf32, #tpu.memory_space<hbm>> -> memref<128x128xf32, #tpu.memory_space<hbm>>
      %dma_start3A_32 = arith.constant 0 : i32
      %dma_start3A_33 = tpu.memref_slice %arg10[%run_scoped3A_13, %mul3A_2, %dma_start3A_32] : memref<4x4096x128xf32, #tpu.memory_space<hbm>> -> memref<1x128x128xf32, #tpu.memory_space<hbm>>
      %dma_start3A_34 = tpu.memref_squeeze %dma_start3A_33 : memref<1x128x128xf32, #tpu.memory_space<hbm>> -> memref<128x128xf32, #tpu.memory_space<hbm>>
      tpu.enqueue_dma source(%arg12 : memref<128x128xf32, #tpu.memory_space<vmem>>) target(%dma_start3A_34 : memref<128x128xf32, #tpu.memory_space<hbm>>) target_semaphore(%run_scoped3A_28 : memref<!tpu.dma_semaphore, #tpu.memory_space<semaphore_mem>>)
      %dma_wait3A_35 = arith.constant 0 : i32
      %dma_wait3A_36 = tpu.memref_slice %arg10[%run_scoped3A_13, %mul3A_2, %dma_wait3A_35] : memref<4x4096x128xf32, #tpu.memory_space<hbm>> -> memref<1x128x128xf32, #tpu.memory_space<hbm>>
      %dma_wait3A_37 = tpu.memref_squeeze %dma_wait3A_36 : memref<1x128x128xf32, #tpu.memory_space<hbm>> -> memref<128x128xf32, #tpu.memory_space<hbm>>
      %dma_wait3A_38 = arith.constant 0 : i32
      %dma_wait3A_39 = tpu.memref_slice %arg10[%run_scoped3A_13, %mul3A_2, %dma_wait3A_38] : memref<4x4096x128xf32, #tpu.memory_space<hbm>> -> memref<1x128x128xf32, #tpu.memory_space<hbm>>
      %dma_wait3A_40 = tpu.memref_squeeze %dma_wait3A_39 : memref<1x128x128xf32, #tpu.memory_space<hbm>> -> memref<128x128xf32, #tpu.memory_space<hbm>>
      tpu.wait_dma2 semaphore(%run_scoped3A_28 : memref<!tpu.dma_semaphore, #tpu.memory_space<semaphore_mem>>) src(%arg12 : memref<128x128xf32, #tpu.memory_space<vmem>>) dst(%dma_wait3A_40 : memref<128x128xf32, #tpu.memory_space<hbm>>)
      tpu.yield
    }) : () -> ()
    "tpu.region"() ({
      %run_scoped3A_28 = tpu.sem_alloc : memref<!tpu.dma_semaphore, #tpu.memory_space<semaphore_mem>>
      %dma_start3A_29 = tpu.memref_slice %arg8[%mul3A_2] : memref<4096xi32, #tpu.memory_space<hbm>> -> memref<128xi32, #tpu.memory_space<hbm>>
      %dma_start3A_30 = tpu.memref_slice %arg8[%mul3A_2] : memref<4096xi32, #tpu.memory_space<hbm>> -> memref<128xi32, #tpu.memory_space<hbm>>
      tpu.enqueue_dma source(%dma_start3A_30 : memref<128xi32, #tpu.memory_space<hbm>>) target(%arg11 : memref<128xi32, #tpu.memory_space<vmem>>) target_semaphore(%run_scoped3A_28 : memref<!tpu.dma_semaphore, #tpu.memory_space<semaphore_mem>>)
      %dma_wait3A_31 = tpu.memref_slice %arg8[%mul3A_2] : memref<4096xi32, #tpu.memory_space<hbm>> -> memref<128xi32, #tpu.memory_space<hbm>>
      %dma_wait3A_32 = tpu.memref_slice %arg8[%mul3A_2] : memref<4096xi32, #tpu.memory_space<hbm>> -> memref<128xi32, #tpu.memory_space<hbm>>
      tpu.wait_dma2 semaphore(%run_scoped3A_28 : memref<!tpu.dma_semaphore, #tpu.memory_space<semaphore_mem>>) src(%dma_wait3A_32 : memref<128xi32, #tpu.memory_space<hbm>>) dst(%arg11 : memref<128xi32, #tpu.memory_space<vmem>>)
      tpu.yield
    }) : () -> ()
    %dma_start3A_14 = arith.constant 0 : i32
    %dma_start3A_15 = arith.constant 0 : i32
    %dma_start3A_16 = tpu.memref_slice %arg4[%dma_start3A_14, %dma_start3A_15] : memref<100000x128xf32, #tpu.memory_space<hbm>> -> memref<100000x128xf32, #tpu.memory_space<hbm>>
    tpu.enqueue_indirect_dma source(%dma_start3A_16 : memref<100000x128xf32, #tpu.memory_space<hbm>>) target(%arg12 : memref<128x128xf32, #tpu.memory_space<vmem>>) offsets(%arg11 : memref<128xi32, #tpu.memory_space<vmem>>) semaphore(%arg13 : memref<!tpu.dma_semaphore, #tpu.memory_space<semaphore_mem>>)
    %dma_wait3A_17 = arith.constant 0 : i32
    %dma_wait3A_18 = arith.constant 0 : i32
    %dma_wait3A_19 = tpu.memref_slice %arg4[%dma_wait3A_17, %dma_wait3A_18] : memref<100000x128xf32, #tpu.memory_space<hbm>> -> memref<100000x128xf32, #tpu.memory_space<hbm>>
    tpu.wait_indirect_dma semaphore(%arg13 : memref<!tpu.dma_semaphore, #tpu.memory_space<semaphore_mem>>) src(%dma_wait3A_19 : memref<100000x128xf32, #tpu.memory_space<hbm>>) dst(%arg12 : memref<128x128xf32, #tpu.memory_space<vmem>>)
    %run_scoped3A_20 = arith.constant 2 : i32
    "tpu.region"() ({
      %run_scoped3A_28 = tpu.sem_alloc : memref<!tpu.dma_semaphore, #tpu.memory_space<semaphore_mem>>
      %dma_start3A_29 = arith.constant 0 : i32
      %dma_start3A_30 = tpu.memref_slice %arg10[%run_scoped3A_20, %mul3A_2, %dma_start3A_29] : memref<4x4096x128xf32, #tpu.memory_space<hbm>> -> memref<1x128x128xf32, #tpu.memory_space<hbm>>
      %dma_start3A_31 = tpu.memref_squeeze %dma_start3A_30 : memref<1x128x128xf32, #tpu.memory_space<hbm>> -> memref<128x128xf32, #tpu.memory_space<hbm>>
      %dma_start3A_32 = arith.constant 0 : i32
      %dma_start3A_33 = tpu.memref_slice %arg10[%run_scoped3A_20, %mul3A_2, %dma_start3A_32] : memref<4x4096x128xf32, #tpu.memory_space<hbm>> -> memref<1x128x128xf32, #tpu.memory_space<hbm>>
      %dma_start3A_34 = tpu.memref_squeeze %dma_start3A_33 : memref<1x128x128xf32, #tpu.memory_space<hbm>> -> memref<128x128xf32, #tpu.memory_space<hbm>>
      tpu.enqueue_dma source(%arg12 : memref<128x128xf32, #tpu.memory_space<vmem>>) target(%dma_start3A_34 : memref<128x128xf32, #tpu.memory_space<hbm>>) target_semaphore(%run_scoped3A_28 : memref<!tpu.dma_semaphore, #tpu.memory_space<semaphore_mem>>)
      %dma_wait3A_35 = arith.constant 0 : i32
      %dma_wait3A_36 = tpu.memref_slice %arg10[%run_scoped3A_20, %mul3A_2, %dma_wait3A_35] : memref<4x4096x128xf32, #tpu.memory_space<hbm>> -> memref<1x128x128xf32, #tpu.memory_space<hbm>>
      %dma_wait3A_37 = tpu.memref_squeeze %dma_wait3A_36 : memref<1x128x128xf32, #tpu.memory_space<hbm>> -> memref<128x128xf32, #tpu.memory_space<hbm>>
      %dma_wait3A_38 = arith.constant 0 : i32
      %dma_wait3A_39 = tpu.memref_slice %arg10[%run_scoped3A_20, %mul3A_2, %dma_wait3A_38] : memref<4x4096x128xf32, #tpu.memory_space<hbm>> -> memref<1x128x128xf32, #tpu.memory_space<hbm>>
      %dma_wait3A_40 = tpu.memref_squeeze %dma_wait3A_39 : memref<1x128x128xf32, #tpu.memory_space<hbm>> -> memref<128x128xf32, #tpu.memory_space<hbm>>
      tpu.wait_dma2 semaphore(%run_scoped3A_28 : memref<!tpu.dma_semaphore, #tpu.memory_space<semaphore_mem>>) src(%arg12 : memref<128x128xf32, #tpu.memory_space<vmem>>) dst(%dma_wait3A_40 : memref<128x128xf32, #tpu.memory_space<hbm>>)
      tpu.yield
    }) : () -> ()
    "tpu.region"() ({
      %run_scoped3A_28 = tpu.sem_alloc : memref<!tpu.dma_semaphore, #tpu.memory_space<semaphore_mem>>
      %dma_start3A_29 = tpu.memref_slice %arg9[%mul3A_2] : memref<4096xi32, #tpu.memory_space<hbm>> -> memref<128xi32, #tpu.memory_space<hbm>>
      %dma_start3A_30 = tpu.memref_slice %arg9[%mul3A_2] : memref<4096xi32, #tpu.memory_space<hbm>> -> memref<128xi32, #tpu.memory_space<hbm>>
      tpu.enqueue_dma source(%dma_start3A_30 : memref<128xi32, #tpu.memory_space<hbm>>) target(%arg11 : memref<128xi32, #tpu.memory_space<vmem>>) target_semaphore(%run_scoped3A_28 : memref<!tpu.dma_semaphore, #tpu.memory_space<semaphore_mem>>)
      %dma_wait3A_31 = tpu.memref_slice %arg9[%mul3A_2] : memref<4096xi32, #tpu.memory_space<hbm>> -> memref<128xi32, #tpu.memory_space<hbm>>
      %dma_wait3A_32 = tpu.memref_slice %arg9[%mul3A_2] : memref<4096xi32, #tpu.memory_space<hbm>> -> memref<128xi32, #tpu.memory_space<hbm>>
      tpu.wait_dma2 semaphore(%run_scoped3A_28 : memref<!tpu.dma_semaphore, #tpu.memory_space<semaphore_mem>>) src(%dma_wait3A_32 : memref<128xi32, #tpu.memory_space<hbm>>) dst(%arg11 : memref<128xi32, #tpu.memory_space<vmem>>)
      tpu.yield
    }) : () -> ()
    %dma_start3A_21 = arith.constant 0 : i32
    %dma_start3A_22 = arith.constant 0 : i32
    %dma_start3A_23 = tpu.memref_slice %arg5[%dma_start3A_21, %dma_start3A_22] : memref<100x128xf32, #tpu.memory_space<hbm>> -> memref<100x128xf32, #tpu.memory_space<hbm>>
    tpu.enqueue_indirect_dma source(%dma_start3A_23 : memref<100x128xf32, #tpu.memory_space<hbm>>) target(%arg12 : memref<128x128xf32, #tpu.memory_space<vmem>>) offsets(%arg11 : memref<128xi32, #tpu.memory_space<vmem>>) semaphore(%arg13 : memref<!tpu.dma_semaphore, #tpu.memory_space<semaphore_mem>>)
    %dma_wait3A_24 = arith.constant 0 : i32
    %dma_wait3A_25 = arith.constant 0 : i32
    %dma_wait3A_26 = tpu.memref_slice %arg5[%dma_wait3A_24, %dma_wait3A_25] : memref<100x128xf32, #tpu.memory_space<hbm>> -> memref<100x128xf32, #tpu.memory_space<hbm>>
    tpu.wait_indirect_dma semaphore(%arg13 : memref<!tpu.dma_semaphore, #tpu.memory_space<semaphore_mem>>) src(%dma_wait3A_26 : memref<100x128xf32, #tpu.memory_space<hbm>>) dst(%arg12 : memref<128x128xf32, #tpu.memory_space<vmem>>)
    %run_scoped3A_27 = arith.constant 3 : i32
    "tpu.region"() ({
      %run_scoped3A_28 = tpu.sem_alloc : memref<!tpu.dma_semaphore, #tpu.memory_space<semaphore_mem>>
      %dma_start3A_29 = arith.constant 0 : i32
      %dma_start3A_30 = tpu.memref_slice %arg10[%run_scoped3A_27, %mul3A_2, %dma_start3A_29] : memref<4x4096x128xf32, #tpu.memory_space<hbm>> -> memref<1x128x128xf32, #tpu.memory_space<hbm>>
      %dma_start3A_31 = tpu.memref_squeeze %dma_start3A_30 : memref<1x128x128xf32, #tpu.memory_space<hbm>> -> memref<128x128xf32, #tpu.memory_space<hbm>>
      %dma_start3A_32 = arith.constant 0 : i32
      %dma_start3A_33 = tpu.memref_slice %arg10[%run_scoped3A_27, %mul3A_2, %dma_start3A_32] : memref<4x4096x128xf32, #tpu.memory_space<hbm>> -> memref<1x128x128xf32, #tpu.memory_space<hbm>>
      %dma_start3A_34 = tpu.memref_squeeze %dma_start3A_33 : memref<1x128x128xf32, #tpu.memory_space<hbm>> -> memref<128x128xf32, #tpu.memory_space<hbm>>
      tpu.enqueue_dma source(%arg12 : memref<128x128xf32, #tpu.memory_space<vmem>>) target(%dma_start3A_34 : memref<128x128xf32, #tpu.memory_space<hbm>>) target_semaphore(%run_scoped3A_28 : memref<!tpu.dma_semaphore, #tpu.memory_space<semaphore_mem>>)
      %dma_wait3A_35 = arith.constant 0 : i32
      %dma_wait3A_36 = tpu.memref_slice %arg10[%run_scoped3A_27, %mul3A_2, %dma_wait3A_35] : memref<4x4096x128xf32, #tpu.memory_space<hbm>> -> memref<1x128x128xf32, #tpu.memory_space<hbm>>
      %dma_wait3A_37 = tpu.memref_squeeze %dma_wait3A_36 : memref<1x128x128xf32, #tpu.memory_space<hbm>> -> memref<128x128xf32, #tpu.memory_space<hbm>>
      %dma_wait3A_38 = arith.constant 0 : i32
      %dma_wait3A_39 = tpu.memref_slice %arg10[%run_scoped3A_27, %mul3A_2, %dma_wait3A_38] : memref<4x4096x128xf32, #tpu.memory_space<hbm>> -> memref<1x128x128xf32, #tpu.memory_space<hbm>>
      %dma_wait3A_40 = tpu.memref_squeeze %dma_wait3A_39 : memref<1x128x128xf32, #tpu.memory_space<hbm>> -> memref<128x128xf32, #tpu.memory_space<hbm>>
      tpu.wait_dma2 semaphore(%run_scoped3A_28 : memref<!tpu.dma_semaphore, #tpu.memory_space<semaphore_mem>>) src(%arg12 : memref<128x128xf32, #tpu.memory_space<vmem>>) dst(%dma_wait3A_40 : memref<128x128xf32, #tpu.memory_space<hbm>>)
      tpu.yield
    }) : () -> ()
    return
  }
}

#map = affine_map<(d0, d1) -> (0, 0, 0)>
#map1 = affine_map<(d0, d1) -> (0)>
module attributes {stable_mosaic.version = 14 : i64} {
  func.func @song_kernel(%arg0: i32, %arg1: i32, %arg2: memref<8x8x1000000xf32, #tpu.memory_space<hbm>>, %arg3: memref<4096xi32, #tpu.memory_space<hbm>>, %arg4: memref<262144xf32, #tpu.memory_space<hbm>>, %arg5: memref<160xi32, #tpu.memory_space<vmem>>, %arg6: memref<12x8x8x128xf32, #tpu.memory_space<vmem>>, %arg7: memref<8192xf32, #tpu.memory_space<vmem>>, %arg8: memref<!tpu.dma_semaphore, #tpu.memory_space<semaphore_mem>>) attributes {dimension_semantics = [#tpu.dimension_semantics<core_parallel>, #tpu.dimension_semantics<subcore_parallel>], iteration_bounds = array<i64: 2, 16>, scalar_prefetch = 0 : i64, scratch_operands = 4 : i64, tpu.core_type = #tpu.core_type<sc_vector_subcore>, window_params = [{transform_indices = #map}, {transform_indices = #map1}, {transform_indices = #map1}]} {
    %mul3A = arith.constant 2 : i32
    %mul3A_0 = arith.muli %arg1, %mul3A : i32
    %add3A = arith.addi %mul3A_0, %arg0 : i32
    %mul3A_1 = arith.constant 128 : i32
    %mul3A_2 = arith.muli %add3A, %mul3A_1 : i32
    "tpu.region"() ({
      %run_scoped3A = tpu.sem_alloc : memref<!tpu.dma_semaphore, #tpu.memory_space<semaphore_mem>>
      %dma_start3A_291 = arith.constant 0 : i32
      %dma_start3A_292 = tpu.memref_slice %arg5[%dma_start3A_291] : memref<160xi32, #tpu.memory_space<vmem>> -> memref<128xi32, #tpu.memory_space<vmem>>
      %dma_start3A_293 = tpu.memref_slice %arg3[%mul3A_2] : memref<4096xi32, #tpu.memory_space<hbm>> -> memref<128xi32, #tpu.memory_space<hbm>>
      %dma_start3A_294 = arith.constant 0 : i32
      %dma_start3A_295 = tpu.memref_slice %arg5[%dma_start3A_294] : memref<160xi32, #tpu.memory_space<vmem>> -> memref<128xi32, #tpu.memory_space<vmem>>
      %dma_start3A_296 = tpu.memref_slice %arg3[%mul3A_2] : memref<4096xi32, #tpu.memory_space<hbm>> -> memref<128xi32, #tpu.memory_space<hbm>>
      tpu.enqueue_dma source(%dma_start3A_296 : memref<128xi32, #tpu.memory_space<hbm>>) target(%dma_start3A_295 : memref<128xi32, #tpu.memory_space<vmem>>) target_semaphore(%run_scoped3A : memref<!tpu.dma_semaphore, #tpu.memory_space<semaphore_mem>>)
      %dma_wait3A = arith.constant 0 : i32
      %dma_wait3A_297 = tpu.memref_slice %arg5[%dma_wait3A] : memref<160xi32, #tpu.memory_space<vmem>> -> memref<128xi32, #tpu.memory_space<vmem>>
      %dma_wait3A_298 = tpu.memref_slice %arg3[%mul3A_2] : memref<4096xi32, #tpu.memory_space<hbm>> -> memref<128xi32, #tpu.memory_space<hbm>>
      %dma_wait3A_299 = arith.constant 0 : i32
      %dma_wait3A_300 = tpu.memref_slice %arg5[%dma_wait3A_299] : memref<160xi32, #tpu.memory_space<vmem>> -> memref<128xi32, #tpu.memory_space<vmem>>
      %dma_wait3A_301 = tpu.memref_slice %arg3[%mul3A_2] : memref<4096xi32, #tpu.memory_space<hbm>> -> memref<128xi32, #tpu.memory_space<hbm>>
      tpu.wait_dma2 semaphore(%run_scoped3A : memref<!tpu.dma_semaphore, #tpu.memory_space<semaphore_mem>>) src(%dma_wait3A_301 : memref<128xi32, #tpu.memory_space<hbm>>) dst(%dma_wait3A_300 : memref<128xi32, #tpu.memory_space<vmem>>)
      tpu.yield
    }) : () -> ()
    %iota3A = tpu.iota {dimensions = array<i32: 0>} : vector<16xi32>
    %get3A = arith.constant 0 : index
    %get3A_3 = tpu.vector_load %arg5[%get3A] {strides = array<i32>} : memref<160xi32, #tpu.memory_space<vmem>>, vector<16xi32>,
    %slice3A = vector.extract_strided_slice %get3A_3 {offsets = [0], sizes = [1], strides = [1]} : vector<16xi32> to vector<1xi32>
    %squeeze3A = vector.extract %slice3A[0] : i32 from vector<1xi32>
    %shift_right_arithmetic3A = arith.constant 7 : i32
    %shift_right_arithmetic3A_4 = arith.shrsi %squeeze3A, %shift_right_arithmetic3A : i32
    %mul3A_5 = arith.constant 128 : i32
    %mul3A_6 = arith.muli %shift_right_arithmetic3A_4, %mul3A_5 : i32
    %multiple_of3A = tpu.assume_multiple %mul3A_6, 128 : i32
    %dma_start3A = arith.constant 0 : i32
    %dma_start3A_7 = arith.constant 0 : i32
    %dma_start3A_8 = arith.constant 0 : i32
    %dma_start3A_9 = arith.constant 0 : i32
    %dma_start3A_10 = tpu.memref_slice %arg6[%dma_start3A, %dma_start3A_7, %dma_start3A_8, %dma_start3A_9] : memref<12x8x8x128xf32, #tpu.memory_space<vmem>> -> memref<1x8x8x128xf32, #tpu.memory_space<vmem>>
    %dma_start3A_11 = tpu.memref_squeeze %dma_start3A_10 : memref<1x8x8x128xf32, #tpu.memory_space<vmem>> -> memref<8x8x128xf32, #tpu.memory_space<vmem>>
    %dma_start3A_12 = arith.constant 0 : i32
    %dma_start3A_13 = arith.constant 0 : i32
    %dma_start3A_14 = tpu.memref_slice %arg2[%dma_start3A_12, %dma_start3A_13, %multiple_of3A] : memref<8x8x1000000xf32, #tpu.memory_space<hbm>> -> memref<8x8x128xf32, #tpu.memory_space<hbm>>
    %dma_start3A_15 = arith.constant 0 : i32
    %dma_start3A_16 = arith.constant 0 : i32
    %dma_start3A_17 = arith.constant 0 : i32
    %dma_start3A_18 = tpu.memref_slice %arg6[%dma_start3A, %dma_start3A_15, %dma_start3A_16, %dma_start3A_17] : memref<12x8x8x128xf32, #tpu.memory_space<vmem>> -> memref<1x8x8x128xf32, #tpu.memory_space<vmem>>
    %dma_start3A_19 = tpu.memref_squeeze %dma_start3A_18 : memref<1x8x8x128xf32, #tpu.memory_space<vmem>> -> memref<8x8x128xf32, #tpu.memory_space<vmem>>
    %dma_start3A_20 = arith.constant 0 : i32
    %dma_start3A_21 = arith.constant 0 : i32
    %dma_start3A_22 = tpu.memref_slice %arg2[%dma_start3A_20, %dma_start3A_21, %multiple_of3A] : memref<8x8x1000000xf32, #tpu.memory_space<hbm>> -> memref<8x8x128xf32, #tpu.memory_space<hbm>>
    tpu.enqueue_dma source(%dma_start3A_22 : memref<8x8x128xf32, #tpu.memory_space<hbm>>) target(%dma_start3A_19 : memref<8x8x128xf32, #tpu.memory_space<vmem>>) target_semaphore(%arg8 : memref<!tpu.dma_semaphore, #tpu.memory_space<semaphore_mem>>)
    %get3A_23 = arith.constant 1 : index
    %get3A_24 = tpu.vector_load %arg5[%get3A_23] {strides = array<i32>} : memref<160xi32, #tpu.memory_space<vmem>>, vector<16xi32>,
    %slice3A_25 = vector.extract_strided_slice %get3A_24 {offsets = [0], sizes = [1], strides = [1]} : vector<16xi32> to vector<1xi32>
    %squeeze3A_26 = vector.extract %slice3A_25[0] : i32 from vector<1xi32>
    %shift_right_arithmetic3A_27 = arith.constant 7 : i32
    %shift_right_arithmetic3A_28 = arith.shrsi %squeeze3A_26, %shift_right_arithmetic3A_27 : i32
    %mul3A_29 = arith.constant 128 : i32
    %mul3A_30 = arith.muli %shift_right_arithmetic3A_28, %mul3A_29 : i32
    %multiple_of3A_31 = tpu.assume_multiple %mul3A_30, 128 : i32
    %dma_start3A_32 = arith.constant 1 : i32
    %dma_start3A_33 = arith.constant 0 : i32
    %dma_start3A_34 = arith.constant 0 : i32
    %dma_start3A_35 = arith.constant 0 : i32
    %dma_start3A_36 = tpu.memref_slice %arg6[%dma_start3A_32, %dma_start3A_33, %dma_start3A_34, %dma_start3A_35] : memref<12x8x8x128xf32, #tpu.memory_space<vmem>> -> memref<1x8x8x128xf32, #tpu.memory_space<vmem>>
    %dma_start3A_37 = tpu.memref_squeeze %dma_start3A_36 : memref<1x8x8x128xf32, #tpu.memory_space<vmem>> -> memref<8x8x128xf32, #tpu.memory_space<vmem>>
    %dma_start3A_38 = arith.constant 0 : i32
    %dma_start3A_39 = arith.constant 0 : i32
    %dma_start3A_40 = tpu.memref_slice %arg2[%dma_start3A_38, %dma_start3A_39, %multiple_of3A_31] : memref<8x8x1000000xf32, #tpu.memory_space<hbm>> -> memref<8x8x128xf32, #tpu.memory_space<hbm>>
    %dma_start3A_41 = arith.constant 0 : i32
    %dma_start3A_42 = arith.constant 0 : i32
    %dma_start3A_43 = arith.constant 0 : i32
    %dma_start3A_44 = tpu.memref_slice %arg6[%dma_start3A_32, %dma_start3A_41, %dma_start3A_42, %dma_start3A_43] : memref<12x8x8x128xf32, #tpu.memory_space<vmem>> -> memref<1x8x8x128xf32, #tpu.memory_space<vmem>>
    %dma_start3A_45 = tpu.memref_squeeze %dma_start3A_44 : memref<1x8x8x128xf32, #tpu.memory_space<vmem>> -> memref<8x8x128xf32, #tpu.memory_space<vmem>>
    %dma_start3A_46 = arith.constant 0 : i32
    %dma_start3A_47 = arith.constant 0 : i32
    %dma_start3A_48 = tpu.memref_slice %arg2[%dma_start3A_46, %dma_start3A_47, %multiple_of3A_31] : memref<8x8x1000000xf32, #tpu.memory_space<hbm>> -> memref<8x8x128xf32, #tpu.memory_space<hbm>>
    tpu.enqueue_dma source(%dma_start3A_48 : memref<8x8x128xf32, #tpu.memory_space<hbm>>) target(%dma_start3A_45 : memref<8x8x128xf32, #tpu.memory_space<vmem>>) target_semaphore(%arg8 : memref<!tpu.dma_semaphore, #tpu.memory_space<semaphore_mem>>)
    %get3A_49 = arith.constant 2 : index
    %get3A_50 = tpu.vector_load %arg5[%get3A_49] {strides = array<i32>} : memref<160xi32, #tpu.memory_space<vmem>>, vector<16xi32>,
    %slice3A_51 = vector.extract_strided_slice %get3A_50 {offsets = [0], sizes = [1], strides = [1]} : vector<16xi32> to vector<1xi32>
    %squeeze3A_52 = vector.extract %slice3A_51[0] : i32 from vector<1xi32>
    %shift_right_arithmetic3A_53 = arith.constant 7 : i32
    %shift_right_arithmetic3A_54 = arith.shrsi %squeeze3A_52, %shift_right_arithmetic3A_53 : i32
    %mul3A_55 = arith.constant 128 : i32
    %mul3A_56 = arith.muli %shift_right_arithmetic3A_54, %mul3A_55 : i32
    %multiple_of3A_57 = tpu.assume_multiple %mul3A_56, 128 : i32
    %dma_start3A_58 = arith.constant 2 : i32
    %dma_start3A_59 = arith.constant 0 : i32
    %dma_start3A_60 = arith.constant 0 : i32
    %dma_start3A_61 = arith.constant 0 : i32
    %dma_start3A_62 = tpu.memref_slice %arg6[%dma_start3A_58, %dma_start3A_59, %dma_start3A_60, %dma_start3A_61] : memref<12x8x8x128xf32, #tpu.memory_space<vmem>> -> memref<1x8x8x128xf32, #tpu.memory_space<vmem>>
    %dma_start3A_63 = tpu.memref_squeeze %dma_start3A_62 : memref<1x8x8x128xf32, #tpu.memory_space<vmem>> -> memref<8x8x128xf32, #tpu.memory_space<vmem>>
    %dma_start3A_64 = arith.constant 0 : i32
    %dma_start3A_65 = arith.constant 0 : i32
    %dma_start3A_66 = tpu.memref_slice %arg2[%dma_start3A_64, %dma_start3A_65, %multiple_of3A_57] : memref<8x8x1000000xf32, #tpu.memory_space<hbm>> -> memref<8x8x128xf32, #tpu.memory_space<hbm>>
    %dma_start3A_67 = arith.constant 0 : i32
    %dma_start3A_68 = arith.constant 0 : i32
    %dma_start3A_69 = arith.constant 0 : i32
    %dma_start3A_70 = tpu.memref_slice %arg6[%dma_start3A_58, %dma_start3A_67, %dma_start3A_68, %dma_start3A_69] : memref<12x8x8x128xf32, #tpu.memory_space<vmem>> -> memref<1x8x8x128xf32, #tpu.memory_space<vmem>>
    %dma_start3A_71 = tpu.memref_squeeze %dma_start3A_70 : memref<1x8x8x128xf32, #tpu.memory_space<vmem>> -> memref<8x8x128xf32, #tpu.memory_space<vmem>>
    %dma_start3A_72 = arith.constant 0 : i32
    %dma_start3A_73 = arith.constant 0 : i32
    %dma_start3A_74 = tpu.memref_slice %arg2[%dma_start3A_72, %dma_start3A_73, %multiple_of3A_57] : memref<8x8x1000000xf32, #tpu.memory_space<hbm>> -> memref<8x8x128xf32, #tpu.memory_space<hbm>>
    tpu.enqueue_dma source(%dma_start3A_74 : memref<8x8x128xf32, #tpu.memory_space<hbm>>) target(%dma_start3A_71 : memref<8x8x128xf32, #tpu.memory_space<vmem>>) target_semaphore(%arg8 : memref<!tpu.dma_semaphore, #tpu.memory_space<semaphore_mem>>)
    %get3A_75 = arith.constant 3 : index
    %get3A_76 = tpu.vector_load %arg5[%get3A_75] {strides = array<i32>} : memref<160xi32, #tpu.memory_space<vmem>>, vector<16xi32>,
    %slice3A_77 = vector.extract_strided_slice %get3A_76 {offsets = [0], sizes = [1], strides = [1]} : vector<16xi32> to vector<1xi32>
    %squeeze3A_78 = vector.extract %slice3A_77[0] : i32 from vector<1xi32>
    %shift_right_arithmetic3A_79 = arith.constant 7 : i32
    %shift_right_arithmetic3A_80 = arith.shrsi %squeeze3A_78, %shift_right_arithmetic3A_79 : i32
    %mul3A_81 = arith.constant 128 : i32
    %mul3A_82 = arith.muli %shift_right_arithmetic3A_80, %mul3A_81 : i32
    %multiple_of3A_83 = tpu.assume_multiple %mul3A_82, 128 : i32
    %dma_start3A_84 = arith.constant 3 : i32
    %dma_start3A_85 = arith.constant 0 : i32
    %dma_start3A_86 = arith.constant 0 : i32
    %dma_start3A_87 = arith.constant 0 : i32
    %dma_start3A_88 = tpu.memref_slice %arg6[%dma_start3A_84, %dma_start3A_85, %dma_start3A_86, %dma_start3A_87] : memref<12x8x8x128xf32, #tpu.memory_space<vmem>> -> memref<1x8x8x128xf32, #tpu.memory_space<vmem>>
    %dma_start3A_89 = tpu.memref_squeeze %dma_start3A_88 : memref<1x8x8x128xf32, #tpu.memory_space<vmem>> -> memref<8x8x128xf32, #tpu.memory_space<vmem>>
    %dma_start3A_90 = arith.constant 0 : i32
    %dma_start3A_91 = arith.constant 0 : i32
    %dma_start3A_92 = tpu.memref_slice %arg2[%dma_start3A_90, %dma_start3A_91, %multiple_of3A_83] : memref<8x8x1000000xf32, #tpu.memory_space<hbm>> -> memref<8x8x128xf32, #tpu.memory_space<hbm>>
    %dma_start3A_93 = arith.constant 0 : i32
    %dma_start3A_94 = arith.constant 0 : i32
    %dma_start3A_95 = arith.constant 0 : i32
    %dma_start3A_96 = tpu.memref_slice %arg6[%dma_start3A_84, %dma_start3A_93, %dma_start3A_94, %dma_start3A_95] : memref<12x8x8x128xf32, #tpu.memory_space<vmem>> -> memref<1x8x8x128xf32, #tpu.memory_space<vmem>>
    %dma_start3A_97 = tpu.memref_squeeze %dma_start3A_96 : memref<1x8x8x128xf32, #tpu.memory_space<vmem>> -> memref<8x8x128xf32, #tpu.memory_space<vmem>>
    %dma_start3A_98 = arith.constant 0 : i32
    %dma_start3A_99 = arith.constant 0 : i32
    %dma_start3A_100 = tpu.memref_slice %arg2[%dma_start3A_98, %dma_start3A_99, %multiple_of3A_83] : memref<8x8x1000000xf32, #tpu.memory_space<hbm>> -> memref<8x8x128xf32, #tpu.memory_space<hbm>>
    tpu.enqueue_dma source(%dma_start3A_100 : memref<8x8x128xf32, #tpu.memory_space<hbm>>) target(%dma_start3A_97 : memref<8x8x128xf32, #tpu.memory_space<vmem>>) target_semaphore(%arg8 : memref<!tpu.dma_semaphore, #tpu.memory_space<semaphore_mem>>)
    %get3A_101 = arith.constant 4 : index
    %get3A_102 = tpu.vector_load %arg5[%get3A_101] {strides = array<i32>} : memref<160xi32, #tpu.memory_space<vmem>>, vector<16xi32>,
    %slice3A_103 = vector.extract_strided_slice %get3A_102 {offsets = [0], sizes = [1], strides = [1]} : vector<16xi32> to vector<1xi32>
    %squeeze3A_104 = vector.extract %slice3A_103[0] : i32 from vector<1xi32>
    %shift_right_arithmetic3A_105 = arith.constant 7 : i32
    %shift_right_arithmetic3A_106 = arith.shrsi %squeeze3A_104, %shift_right_arithmetic3A_105 : i32
    %mul3A_107 = arith.constant 128 : i32
    %mul3A_108 = arith.muli %shift_right_arithmetic3A_106, %mul3A_107 : i32
    %multiple_of3A_109 = tpu.assume_multiple %mul3A_108, 128 : i32
    %dma_start3A_110 = arith.constant 4 : i32
    %dma_start3A_111 = arith.constant 0 : i32
    %dma_start3A_112 = arith.constant 0 : i32
    %dma_start3A_113 = arith.constant 0 : i32
    %dma_start3A_114 = tpu.memref_slice %arg6[%dma_start3A_110, %dma_start3A_111, %dma_start3A_112, %dma_start3A_113] : memref<12x8x8x128xf32, #tpu.memory_space<vmem>> -> memref<1x8x8x128xf32, #tpu.memory_space<vmem>>
    %dma_start3A_115 = tpu.memref_squeeze %dma_start3A_114 : memref<1x8x8x128xf32, #tpu.memory_space<vmem>> -> memref<8x8x128xf32, #tpu.memory_space<vmem>>
    %dma_start3A_116 = arith.constant 0 : i32
    %dma_start3A_117 = arith.constant 0 : i32
    %dma_start3A_118 = tpu.memref_slice %arg2[%dma_start3A_116, %dma_start3A_117, %multiple_of3A_109] : memref<8x8x1000000xf32, #tpu.memory_space<hbm>> -> memref<8x8x128xf32, #tpu.memory_space<hbm>>
    %dma_start3A_119 = arith.constant 0 : i32
    %dma_start3A_120 = arith.constant 0 : i32
    %dma_start3A_121 = arith.constant 0 : i32
    %dma_start3A_122 = tpu.memref_slice %arg6[%dma_start3A_110, %dma_start3A_119, %dma_start3A_120, %dma_start3A_121] : memref<12x8x8x128xf32, #tpu.memory_space<vmem>> -> memref<1x8x8x128xf32, #tpu.memory_space<vmem>>
    %dma_start3A_123 = tpu.memref_squeeze %dma_start3A_122 : memref<1x8x8x128xf32, #tpu.memory_space<vmem>> -> memref<8x8x128xf32, #tpu.memory_space<vmem>>
    %dma_start3A_124 = arith.constant 0 : i32
    %dma_start3A_125 = arith.constant 0 : i32
    %dma_start3A_126 = tpu.memref_slice %arg2[%dma_start3A_124, %dma_start3A_125, %multiple_of3A_109] : memref<8x8x1000000xf32, #tpu.memory_space<hbm>> -> memref<8x8x128xf32, #tpu.memory_space<hbm>>
    tpu.enqueue_dma source(%dma_start3A_126 : memref<8x8x128xf32, #tpu.memory_space<hbm>>) target(%dma_start3A_123 : memref<8x8x128xf32, #tpu.memory_space<vmem>>) target_semaphore(%arg8 : memref<!tpu.dma_semaphore, #tpu.memory_space<semaphore_mem>>)
    %get3A_127 = arith.constant 5 : index
    %get3A_128 = tpu.vector_load %arg5[%get3A_127] {strides = array<i32>} : memref<160xi32, #tpu.memory_space<vmem>>, vector<16xi32>,
    %slice3A_129 = vector.extract_strided_slice %get3A_128 {offsets = [0], sizes = [1], strides = [1]} : vector<16xi32> to vector<1xi32>
    %squeeze3A_130 = vector.extract %slice3A_129[0] : i32 from vector<1xi32>
    %shift_right_arithmetic3A_131 = arith.constant 7 : i32
    %shift_right_arithmetic3A_132 = arith.shrsi %squeeze3A_130, %shift_right_arithmetic3A_131 : i32
    %mul3A_133 = arith.constant 128 : i32
    %mul3A_134 = arith.muli %shift_right_arithmetic3A_132, %mul3A_133 : i32
    %multiple_of3A_135 = tpu.assume_multiple %mul3A_134, 128 : i32
    %dma_start3A_136 = arith.constant 5 : i32
    %dma_start3A_137 = arith.constant 0 : i32
    %dma_start3A_138 = arith.constant 0 : i32
    %dma_start3A_139 = arith.constant 0 : i32
    %dma_start3A_140 = tpu.memref_slice %arg6[%dma_start3A_136, %dma_start3A_137, %dma_start3A_138, %dma_start3A_139] : memref<12x8x8x128xf32, #tpu.memory_space<vmem>> -> memref<1x8x8x128xf32, #tpu.memory_space<vmem>>
    %dma_start3A_141 = tpu.memref_squeeze %dma_start3A_140 : memref<1x8x8x128xf32, #tpu.memory_space<vmem>> -> memref<8x8x128xf32, #tpu.memory_space<vmem>>
    %dma_start3A_142 = arith.constant 0 : i32
    %dma_start3A_143 = arith.constant 0 : i32
    %dma_start3A_144 = tpu.memref_slice %arg2[%dma_start3A_142, %dma_start3A_143, %multiple_of3A_135] : memref<8x8x1000000xf32, #tpu.memory_space<hbm>> -> memref<8x8x128xf32, #tpu.memory_space<hbm>>
    %dma_start3A_145 = arith.constant 0 : i32
    %dma_start3A_146 = arith.constant 0 : i32
    %dma_start3A_147 = arith.constant 0 : i32
    %dma_start3A_148 = tpu.memref_slice %arg6[%dma_start3A_136, %dma_start3A_145, %dma_start3A_146, %dma_start3A_147] : memref<12x8x8x128xf32, #tpu.memory_space<vmem>> -> memref<1x8x8x128xf32, #tpu.memory_space<vmem>>
    %dma_start3A_149 = tpu.memref_squeeze %dma_start3A_148 : memref<1x8x8x128xf32, #tpu.memory_space<vmem>> -> memref<8x8x128xf32, #tpu.memory_space<vmem>>
    %dma_start3A_150 = arith.constant 0 : i32
    %dma_start3A_151 = arith.constant 0 : i32
    %dma_start3A_152 = tpu.memref_slice %arg2[%dma_start3A_150, %dma_start3A_151, %multiple_of3A_135] : memref<8x8x1000000xf32, #tpu.memory_space<hbm>> -> memref<8x8x128xf32, #tpu.memory_space<hbm>>
    tpu.enqueue_dma source(%dma_start3A_152 : memref<8x8x128xf32, #tpu.memory_space<hbm>>) target(%dma_start3A_149 : memref<8x8x128xf32, #tpu.memory_space<vmem>>) target_semaphore(%arg8 : memref<!tpu.dma_semaphore, #tpu.memory_space<semaphore_mem>>)
    %get3A_153 = arith.constant 6 : index
    %get3A_154 = tpu.vector_load %arg5[%get3A_153] {strides = array<i32>} : memref<160xi32, #tpu.memory_space<vmem>>, vector<16xi32>,
    %slice3A_155 = vector.extract_strided_slice %get3A_154 {offsets = [0], sizes = [1], strides = [1]} : vector<16xi32> to vector<1xi32>
    %squeeze3A_156 = vector.extract %slice3A_155[0] : i32 from vector<1xi32>
    %shift_right_arithmetic3A_157 = arith.constant 7 : i32
    %shift_right_arithmetic3A_158 = arith.shrsi %squeeze3A_156, %shift_right_arithmetic3A_157 : i32
    %mul3A_159 = arith.constant 128 : i32
    %mul3A_160 = arith.muli %shift_right_arithmetic3A_158, %mul3A_159 : i32
    %multiple_of3A_161 = tpu.assume_multiple %mul3A_160, 128 : i32
    %dma_start3A_162 = arith.constant 6 : i32
    %dma_start3A_163 = arith.constant 0 : i32
    %dma_start3A_164 = arith.constant 0 : i32
    %dma_start3A_165 = arith.constant 0 : i32
    %dma_start3A_166 = tpu.memref_slice %arg6[%dma_start3A_162, %dma_start3A_163, %dma_start3A_164, %dma_start3A_165] : memref<12x8x8x128xf32, #tpu.memory_space<vmem>> -> memref<1x8x8x128xf32, #tpu.memory_space<vmem>>
    %dma_start3A_167 = tpu.memref_squeeze %dma_start3A_166 : memref<1x8x8x128xf32, #tpu.memory_space<vmem>> -> memref<8x8x128xf32, #tpu.memory_space<vmem>>
    %dma_start3A_168 = arith.constant 0 : i32
    %dma_start3A_169 = arith.constant 0 : i32
    %dma_start3A_170 = tpu.memref_slice %arg2[%dma_start3A_168, %dma_start3A_169, %multiple_of3A_161] : memref<8x8x1000000xf32, #tpu.memory_space<hbm>> -> memref<8x8x128xf32, #tpu.memory_space<hbm>>
    %dma_start3A_171 = arith.constant 0 : i32
    %dma_start3A_172 = arith.constant 0 : i32
    %dma_start3A_173 = arith.constant 0 : i32
    %dma_start3A_174 = tpu.memref_slice %arg6[%dma_start3A_162, %dma_start3A_171, %dma_start3A_172, %dma_start3A_173] : memref<12x8x8x128xf32, #tpu.memory_space<vmem>> -> memref<1x8x8x128xf32, #tpu.memory_space<vmem>>
    %dma_start3A_175 = tpu.memref_squeeze %dma_start3A_174 : memref<1x8x8x128xf32, #tpu.memory_space<vmem>> -> memref<8x8x128xf32, #tpu.memory_space<vmem>>
    %dma_start3A_176 = arith.constant 0 : i32
    %dma_start3A_177 = arith.constant 0 : i32
    %dma_start3A_178 = tpu.memref_slice %arg2[%dma_start3A_176, %dma_start3A_177, %multiple_of3A_161] : memref<8x8x1000000xf32, #tpu.memory_space<hbm>> -> memref<8x8x128xf32, #tpu.memory_space<hbm>>
    tpu.enqueue_dma source(%dma_start3A_178 : memref<8x8x128xf32, #tpu.memory_space<hbm>>) target(%dma_start3A_175 : memref<8x8x128xf32, #tpu.memory_space<vmem>>) target_semaphore(%arg8 : memref<!tpu.dma_semaphore, #tpu.memory_space<semaphore_mem>>)
    %get3A_179 = arith.constant 7 : index
    %get3A_180 = tpu.vector_load %arg5[%get3A_179] {strides = array<i32>} : memref<160xi32, #tpu.memory_space<vmem>>, vector<16xi32>,
    %slice3A_181 = vector.extract_strided_slice %get3A_180 {offsets = [0], sizes = [1], strides = [1]} : vector<16xi32> to vector<1xi32>
    %squeeze3A_182 = vector.extract %slice3A_181[0] : i32 from vector<1xi32>
    %shift_right_arithmetic3A_183 = arith.constant 7 : i32
    %shift_right_arithmetic3A_184 = arith.shrsi %squeeze3A_182, %shift_right_arithmetic3A_183 : i32
    %mul3A_185 = arith.constant 128 : i32
    %mul3A_186 = arith.muli %shift_right_arithmetic3A_184, %mul3A_185 : i32
    %multiple_of3A_187 = tpu.assume_multiple %mul3A_186, 128 : i32
    %dma_start3A_188 = arith.constant 7 : i32
    %dma_start3A_189 = arith.constant 0 : i32
    %dma_start3A_190 = arith.constant 0 : i32
    %dma_start3A_191 = arith.constant 0 : i32
    %dma_start3A_192 = tpu.memref_slice %arg6[%dma_start3A_188, %dma_start3A_189, %dma_start3A_190, %dma_start3A_191] : memref<12x8x8x128xf32, #tpu.memory_space<vmem>> -> memref<1x8x8x128xf32, #tpu.memory_space<vmem>>
    %dma_start3A_193 = tpu.memref_squeeze %dma_start3A_192 : memref<1x8x8x128xf32, #tpu.memory_space<vmem>> -> memref<8x8x128xf32, #tpu.memory_space<vmem>>
    %dma_start3A_194 = arith.constant 0 : i32
    %dma_start3A_195 = arith.constant 0 : i32
    %dma_start3A_196 = tpu.memref_slice %arg2[%dma_start3A_194, %dma_start3A_195, %multiple_of3A_187] : memref<8x8x1000000xf32, #tpu.memory_space<hbm>> -> memref<8x8x128xf32, #tpu.memory_space<hbm>>
    %dma_start3A_197 = arith.constant 0 : i32
    %dma_start3A_198 = arith.constant 0 : i32
    %dma_start3A_199 = arith.constant 0 : i32
    %dma_start3A_200 = tpu.memref_slice %arg6[%dma_start3A_188, %dma_start3A_197, %dma_start3A_198, %dma_start3A_199] : memref<12x8x8x128xf32, #tpu.memory_space<vmem>> -> memref<1x8x8x128xf32, #tpu.memory_space<vmem>>
    %dma_start3A_201 = tpu.memref_squeeze %dma_start3A_200 : memref<1x8x8x128xf32, #tpu.memory_space<vmem>> -> memref<8x8x128xf32, #tpu.memory_space<vmem>>
    %dma_start3A_202 = arith.constant 0 : i32
    %dma_start3A_203 = arith.constant 0 : i32
    %dma_start3A_204 = tpu.memref_slice %arg2[%dma_start3A_202, %dma_start3A_203, %multiple_of3A_187] : memref<8x8x1000000xf32, #tpu.memory_space<hbm>> -> memref<8x8x128xf32, #tpu.memory_space<hbm>>
    tpu.enqueue_dma source(%dma_start3A_204 : memref<8x8x128xf32, #tpu.memory_space<hbm>>) target(%dma_start3A_201 : memref<8x8x128xf32, #tpu.memory_space<vmem>>) target_semaphore(%arg8 : memref<!tpu.dma_semaphore, #tpu.memory_space<semaphore_mem>>)
    %get3A_205 = arith.constant 8 : index
    %get3A_206 = tpu.vector_load %arg5[%get3A_205] {strides = array<i32>} : memref<160xi32, #tpu.memory_space<vmem>>, vector<16xi32>,
    %slice3A_207 = vector.extract_strided_slice %get3A_206 {offsets = [0], sizes = [1], strides = [1]} : vector<16xi32> to vector<1xi32>
    %squeeze3A_208 = vector.extract %slice3A_207[0] : i32 from vector<1xi32>
    %shift_right_arithmetic3A_209 = arith.constant 7 : i32
    %shift_right_arithmetic3A_210 = arith.shrsi %squeeze3A_208, %shift_right_arithmetic3A_209 : i32
    %mul3A_211 = arith.constant 128 : i32
    %mul3A_212 = arith.muli %shift_right_arithmetic3A_210, %mul3A_211 : i32
    %multiple_of3A_213 = tpu.assume_multiple %mul3A_212, 128 : i32
    %dma_start3A_214 = arith.constant 8 : i32
    %dma_start3A_215 = arith.constant 0 : i32
    %dma_start3A_216 = arith.constant 0 : i32
    %dma_start3A_217 = arith.constant 0 : i32
    %dma_start3A_218 = tpu.memref_slice %arg6[%dma_start3A_214, %dma_start3A_215, %dma_start3A_216, %dma_start3A_217] : memref<12x8x8x128xf32, #tpu.memory_space<vmem>> -> memref<1x8x8x128xf32, #tpu.memory_space<vmem>>
    %dma_start3A_219 = tpu.memref_squeeze %dma_start3A_218 : memref<1x8x8x128xf32, #tpu.memory_space<vmem>> -> memref<8x8x128xf32, #tpu.memory_space<vmem>>
    %dma_start3A_220 = arith.constant 0 : i32
    %dma_start3A_221 = arith.constant 0 : i32
    %dma_start3A_222 = tpu.memref_slice %arg2[%dma_start3A_220, %dma_start3A_221, %multiple_of3A_213] : memref<8x8x1000000xf32, #tpu.memory_space<hbm>> -> memref<8x8x128xf32, #tpu.memory_space<hbm>>
    %dma_start3A_223 = arith.constant 0 : i32
    %dma_start3A_224 = arith.constant 0 : i32
    %dma_start3A_225 = arith.constant 0 : i32
    %dma_start3A_226 = tpu.memref_slice %arg6[%dma_start3A_214, %dma_start3A_223, %dma_start3A_224, %dma_start3A_225] : memref<12x8x8x128xf32, #tpu.memory_space<vmem>> -> memref<1x8x8x128xf32, #tpu.memory_space<vmem>>
    %dma_start3A_227 = tpu.memref_squeeze %dma_start3A_226 : memref<1x8x8x128xf32, #tpu.memory_space<vmem>> -> memref<8x8x128xf32, #tpu.memory_space<vmem>>
    %dma_start3A_228 = arith.constant 0 : i32
    %dma_start3A_229 = arith.constant 0 : i32
    %dma_start3A_230 = tpu.memref_slice %arg2[%dma_start3A_228, %dma_start3A_229, %multiple_of3A_213] : memref<8x8x1000000xf32, #tpu.memory_space<hbm>> -> memref<8x8x128xf32, #tpu.memory_space<hbm>>
    tpu.enqueue_dma source(%dma_start3A_230 : memref<8x8x128xf32, #tpu.memory_space<hbm>>) target(%dma_start3A_227 : memref<8x8x128xf32, #tpu.memory_space<vmem>>) target_semaphore(%arg8 : memref<!tpu.dma_semaphore, #tpu.memory_space<semaphore_mem>>)
    %get3A_231 = arith.constant 9 : index
    %get3A_232 = tpu.vector_load %arg5[%get3A_231] {strides = array<i32>} : memref<160xi32, #tpu.memory_space<vmem>>, vector<16xi32>,
    %slice3A_233 = vector.extract_strided_slice %get3A_232 {offsets = [0], sizes = [1], strides = [1]} : vector<16xi32> to vector<1xi32>
    %squeeze3A_234 = vector.extract %slice3A_233[0] : i32 from vector<1xi32>
    %shift_right_arithmetic3A_235 = arith.constant 7 : i32
    %shift_right_arithmetic3A_236 = arith.shrsi %squeeze3A_234, %shift_right_arithmetic3A_235 : i32
    %mul3A_237 = arith.constant 128 : i32
    %mul3A_238 = arith.muli %shift_right_arithmetic3A_236, %mul3A_237 : i32
    %multiple_of3A_239 = tpu.assume_multiple %mul3A_238, 128 : i32
    %dma_start3A_240 = arith.constant 9 : i32
    %dma_start3A_241 = arith.constant 0 : i32
    %dma_start3A_242 = arith.constant 0 : i32
    %dma_start3A_243 = arith.constant 0 : i32
    %dma_start3A_244 = tpu.memref_slice %arg6[%dma_start3A_240, %dma_start3A_241, %dma_start3A_242, %dma_start3A_243] : memref<12x8x8x128xf32, #tpu.memory_space<vmem>> -> memref<1x8x8x128xf32, #tpu.memory_space<vmem>>
    %dma_start3A_245 = tpu.memref_squeeze %dma_start3A_244 : memref<1x8x8x128xf32, #tpu.memory_space<vmem>> -> memref<8x8x128xf32, #tpu.memory_space<vmem>>
    %dma_start3A_246 = arith.constant 0 : i32
    %dma_start3A_247 = arith.constant 0 : i32
    %dma_start3A_248 = tpu.memref_slice %arg2[%dma_start3A_246, %dma_start3A_247, %multiple_of3A_239] : memref<8x8x1000000xf32, #tpu.memory_space<hbm>> -> memref<8x8x128xf32, #tpu.memory_space<hbm>>
    %dma_start3A_249 = arith.constant 0 : i32
    %dma_start3A_250 = arith.constant 0 : i32
    %dma_start3A_251 = arith.constant 0 : i32
    %dma_start3A_252 = tpu.memref_slice %arg6[%dma_start3A_240, %dma_start3A_249, %dma_start3A_250, %dma_start3A_251] : memref<12x8x8x128xf32, #tpu.memory_space<vmem>> -> memref<1x8x8x128xf32, #tpu.memory_space<vmem>>
    %dma_start3A_253 = tpu.memref_squeeze %dma_start3A_252 : memref<1x8x8x128xf32, #tpu.memory_space<vmem>> -> memref<8x8x128xf32, #tpu.memory_space<vmem>>
    %dma_start3A_254 = arith.constant 0 : i32
    %dma_start3A_255 = arith.constant 0 : i32
    %dma_start3A_256 = tpu.memref_slice %arg2[%dma_start3A_254, %dma_start3A_255, %multiple_of3A_239] : memref<8x8x1000000xf32, #tpu.memory_space<hbm>> -> memref<8x8x128xf32, #tpu.memory_space<hbm>>
    tpu.enqueue_dma source(%dma_start3A_256 : memref<8x8x128xf32, #tpu.memory_space<hbm>>) target(%dma_start3A_253 : memref<8x8x128xf32, #tpu.memory_space<vmem>>) target_semaphore(%arg8 : memref<!tpu.dma_semaphore, #tpu.memory_space<semaphore_mem>>)
    %get3A_257 = arith.constant 10 : index
    %get3A_258 = tpu.vector_load %arg5[%get3A_257] {strides = array<i32>} : memref<160xi32, #tpu.memory_space<vmem>>, vector<16xi32>,
    %slice3A_259 = vector.extract_strided_slice %get3A_258 {offsets = [0], sizes = [1], strides = [1]} : vector<16xi32> to vector<1xi32>
    %squeeze3A_260 = vector.extract %slice3A_259[0] : i32 from vector<1xi32>
    %shift_right_arithmetic3A_261 = arith.constant 7 : i32
    %shift_right_arithmetic3A_262 = arith.shrsi %squeeze3A_260, %shift_right_arithmetic3A_261 : i32
    %mul3A_263 = arith.constant 128 : i32
    %mul3A_264 = arith.muli %shift_right_arithmetic3A_262, %mul3A_263 : i32
    %multiple_of3A_265 = tpu.assume_multiple %mul3A_264, 128 : i32
    %dma_start3A_266 = arith.constant 10 : i32
    %dma_start3A_267 = arith.constant 0 : i32
    %dma_start3A_268 = arith.constant 0 : i32
    %dma_start3A_269 = arith.constant 0 : i32
    %dma_start3A_270 = tpu.memref_slice %arg6[%dma_start3A_266, %dma_start3A_267, %dma_start3A_268, %dma_start3A_269] : memref<12x8x8x128xf32, #tpu.memory_space<vmem>> -> memref<1x8x8x128xf32, #tpu.memory_space<vmem>>
    %dma_start3A_271 = tpu.memref_squeeze %dma_start3A_270 : memref<1x8x8x128xf32, #tpu.memory_space<vmem>> -> memref<8x8x128xf32, #tpu.memory_space<vmem>>
    %dma_start3A_272 = arith.constant 0 : i32
    %dma_start3A_273 = arith.constant 0 : i32
    %dma_start3A_274 = tpu.memref_slice %arg2[%dma_start3A_272, %dma_start3A_273, %multiple_of3A_265] : memref<8x8x1000000xf32, #tpu.memory_space<hbm>> -> memref<8x8x128xf32, #tpu.memory_space<hbm>>
    %dma_start3A_275 = arith.constant 0 : i32
    %dma_start3A_276 = arith.constant 0 : i32
    %dma_start3A_277 = arith.constant 0 : i32
    %dma_start3A_278 = tpu.memref_slice %arg6[%dma_start3A_266, %dma_start3A_275, %dma_start3A_276, %dma_start3A_277] : memref<12x8x8x128xf32, #tpu.memory_space<vmem>> -> memref<1x8x8x128xf32, #tpu.memory_space<vmem>>
    %dma_start3A_279 = tpu.memref_squeeze %dma_start3A_278 : memref<1x8x8x128xf32, #tpu.memory_space<vmem>> -> memref<8x8x128xf32, #tpu.memory_space<vmem>>
    %dma_start3A_280 = arith.constant 0 : i32
    %dma_start3A_281 = arith.constant 0 : i32
    %dma_start3A_282 = tpu.memref_slice %arg2[%dma_start3A_280, %dma_start3A_281, %multiple_of3A_265] : memref<8x8x1000000xf32, #tpu.memory_space<hbm>> -> memref<8x8x128xf32, #tpu.memory_space<hbm>>
    tpu.enqueue_dma source(%dma_start3A_282 : memref<8x8x128xf32, #tpu.memory_space<hbm>>) target(%dma_start3A_279 : memref<8x8x128xf32, #tpu.memory_space<vmem>>) target_semaphore(%arg8 : memref<!tpu.dma_semaphore, #tpu.memory_space<semaphore_mem>>)
    %scan3A = arith.constant 0 : i32
    %scan3A_283 = arith.constant 0 : i32
    %scan3A_284 = arith.constant 128 : i32
    %scan3A_285 = arith.addi %scan3A_283, %scan3A_284 : i32
    %scan3A_286 = arith.constant 1 : i32
    %scan3A_287 = scf.for %scan3A_291 = %scan3A_283 to %scan3A_285 step %scan3A_286 iter_args(%scan3A_292 = %scan3A) -> (i32)  : i32 {
      %dma_wait3A = arith.constant 0 : i32
      %dma_wait3A_293 = arith.constant 0 : i32
      %dma_wait3A_294 = arith.constant 0 : i32
      %dma_wait3A_295 = arith.constant 0 : i32
      %dma_wait3A_296 = tpu.memref_slice %arg6[%dma_wait3A, %dma_wait3A_293, %dma_wait3A_294, %dma_wait3A_295] : memref<12x8x8x128xf32, #tpu.memory_space<vmem>> -> memref<1x8x8x128xf32, #tpu.memory_space<vmem>>
      %dma_wait3A_297 = tpu.memref_squeeze %dma_wait3A_296 : memref<1x8x8x128xf32, #tpu.memory_space<vmem>> -> memref<8x8x128xf32, #tpu.memory_space<vmem>>
      %dma_wait3A_298 = arith.constant 0 : i32
      %dma_wait3A_299 = arith.constant 0 : i32
      %dma_wait3A_300 = arith.constant 0 : i32
      %dma_wait3A_301 = tpu.memref_slice %arg2[%dma_wait3A_298, %dma_wait3A_299, %dma_wait3A_300] : memref<8x8x1000000xf32, #tpu.memory_space<hbm>> -> memref<8x8x128xf32, #tpu.memory_space<hbm>>
      %dma_wait3A_302 = arith.constant 0 : i32
      %dma_wait3A_303 = arith.constant 0 : i32
      %dma_wait3A_304 = arith.constant 0 : i32
      %dma_wait3A_305 = tpu.memref_slice %arg6[%dma_wait3A, %dma_wait3A_302, %dma_wait3A_303, %dma_wait3A_304] : memref<12x8x8x128xf32, #tpu.memory_space<vmem>> -> memref<1x8x8x128xf32, #tpu.memory_space<vmem>>
      %dma_wait3A_306 = tpu.memref_squeeze %dma_wait3A_305 : memref<1x8x8x128xf32, #tpu.memory_space<vmem>> -> memref<8x8x128xf32, #tpu.memory_space<vmem>>
      %dma_wait3A_307 = arith.constant 0 : i32
      %dma_wait3A_308 = arith.constant 0 : i32
      %dma_wait3A_309 = arith.constant 0 : i32
      %dma_wait3A_310 = tpu.memref_slice %arg2[%dma_wait3A_307, %dma_wait3A_308, %dma_wait3A_309] : memref<8x8x1000000xf32, #tpu.memory_space<hbm>> -> memref<8x8x128xf32, #tpu.memory_space<hbm>>
      tpu.wait_dma2 semaphore(%arg8 : memref<!tpu.dma_semaphore, #tpu.memory_space<semaphore_mem>>) src(%dma_wait3A_310 : memref<8x8x128xf32, #tpu.memory_space<hbm>>) dst(%dma_wait3A_306 : memref<8x8x128xf32, #tpu.memory_space<vmem>>)
      %get3A_311 = arith.index_cast %scan3A_291 : i32 to index
      %get3A_312 = tpu.vector_load %arg5[%get3A_311] {strides = array<i32>} : memref<160xi32, #tpu.memory_space<vmem>>, vector<16xi32>,
      %slice3A_313 = vector.extract_strided_slice %get3A_312 {offsets = [0], sizes = [1], strides = [1]} : vector<16xi32> to vector<1xi32>
      %squeeze3A_314 = vector.extract %slice3A_313[0] : i32 from vector<1xi32>
      %and3A = arith.constant 127 : i32
      %and3A_315 = arith.andi %squeeze3A_314, %and3A : i32
      %broadcast_in_dim3A = vector.broadcast %and3A_315 : i32 to vector<16xi32>
      %jit3A = arith.constant 12 : i32
      %eq3A = arith.constant 0 : i32
      %eq3A_316 = arith.cmpi eq, %jit3A, %eq3A : i32
      %jit3A_317 = arith.constant 1 : i32
      %select_n3A = arith.select %eq3A_316, %jit3A_317, %jit3A : i32
      %rem3A = arith.remsi %scan3A_291, %select_n3A : i32
      %ne3A = arith.constant 0 : i32
      %ne3A_318 = arith.cmpi ne, %rem3A, %ne3A : i32
      %lt3A = arith.constant 0 : i32
      %lt3A_319 = arith.cmpi slt, %rem3A, %lt3A : i32
      %lt3A_320 = arith.constant 0 : i32
      %lt3A_321 = arith.cmpi slt, %select_n3A, %lt3A_320 : i32
      %ne3A_322 = arith.xori %lt3A_319, %lt3A_321 : i1
      %and3A_323 = arith.andi %ne3A_322, %ne3A_318 : i1
      %add3A_324 = arith.addi %rem3A, %select_n3A : i32
      %select_n3A_325 = arith.select %and3A_323, %add3A_324, %rem3A : i32
      %broadcast_in_dim3A_326 = vector.broadcast %select_n3A_325 : i32 to vector<16xi32>
      %add3A_327 = arith.constant 0 : i32
      %add3A_328 = vector.broadcast %add3A_327 : i32 to vector<16xi32>
      %add3A_329 = arith.addi %iota3A, %add3A_328 : vector<16xi32>
      %shift_right_arithmetic3A_330 = arith.constant 3 : i32
      %shift_right_arithmetic3A_331 = vector.broadcast %shift_right_arithmetic3A_330 : i32 to vector<16xi32>
      %shift_right_arithmetic3A_332 = arith.shrsi %add3A_329, %shift_right_arithmetic3A_331 : vector<16xi32>
      %and3A_333 = arith.constant 7 : i32
      %and3A_334 = vector.broadcast %and3A_333 : i32 to vector<16xi32>
      %and3A_335 = arith.andi %add3A_329, %and3A_334 : vector<16xi32>
      %gather3A = tpu.vector_load_idx %arg6[%broadcast_in_dim3A_326, %shift_right_arithmetic3A_332, %and3A_335, %broadcast_in_dim3A] : memref<12x8x8x128xf32, #tpu.memory_space<vmem>>[vector<16xi32>, vector<16xi32>, vector<16xi32>, vector<16xi32>], vector<16xf32>,
      %mul3A_336 = arith.constant 64 : i32
      %mul3A_337 = arith.muli %scan3A_291, %mul3A_336 : i32
      %add3A_338 = arith.constant 0 : i32
      %add3A_339 = arith.addi %mul3A_337, %add3A_338 : i32
      %swap3A = arith.index_cast %add3A_339 : i32 to index
      %swap3A_340 = tpu.vector_load %arg7[%swap3A] {strides = array<i32>} : memref<8192xf32, #tpu.memory_space<vmem>>, vector<16xf32>,
      tpu.vector_store %arg7[%swap3A], %gather3A {strides = array<i32>} : memref<8192xf32, #tpu.memory_space<vmem>>, vector<16xf32>,
      %add3A_341 = arith.constant 16 : i32
      %add3A_342 = vector.broadcast %add3A_341 : i32 to vector<16xi32>
      %add3A_343 = arith.addi %iota3A, %add3A_342 : vector<16xi32>
      %shift_right_arithmetic3A_344 = arith.constant 3 : i32
      %shift_right_arithmetic3A_345 = vector.broadcast %shift_right_arithmetic3A_344 : i32 to vector<16xi32>
      %shift_right_arithmetic3A_346 = arith.shrsi %add3A_343, %shift_right_arithmetic3A_345 : vector<16xi32>
      %and3A_347 = arith.constant 7 : i32
      %and3A_348 = vector.broadcast %and3A_347 : i32 to vector<16xi32>
      %and3A_349 = arith.andi %add3A_343, %and3A_348 : vector<16xi32>
      %gather3A_350 = tpu.vector_load_idx %arg6[%broadcast_in_dim3A_326, %shift_right_arithmetic3A_346, %and3A_349, %broadcast_in_dim3A] : memref<12x8x8x128xf32, #tpu.memory_space<vmem>>[vector<16xi32>, vector<16xi32>, vector<16xi32>, vector<16xi32>], vector<16xf32>,
      %mul3A_351 = arith.constant 64 : i32
      %mul3A_352 = arith.muli %scan3A_291, %mul3A_351 : i32
      %add3A_353 = arith.constant 16 : i32
      %add3A_354 = arith.addi %mul3A_352, %add3A_353 : i32
      %swap3A_355 = arith.index_cast %add3A_354 : i32 to index
      %swap3A_356 = tpu.vector_load %arg7[%swap3A_355] {strides = array<i32>} : memref<8192xf32, #tpu.memory_space<vmem>>, vector<16xf32>,
      tpu.vector_store %arg7[%swap3A_355], %gather3A_350 {strides = array<i32>} : memref<8192xf32, #tpu.memory_space<vmem>>, vector<16xf32>,
      %add3A_357 = arith.constant 32 : i32
      %add3A_358 = vector.broadcast %add3A_357 : i32 to vector<16xi32>
      %add3A_359 = arith.addi %iota3A, %add3A_358 : vector<16xi32>
      %shift_right_arithmetic3A_360 = arith.constant 3 : i32
      %shift_right_arithmetic3A_361 = vector.broadcast %shift_right_arithmetic3A_360 : i32 to vector<16xi32>
      %shift_right_arithmetic3A_362 = arith.shrsi %add3A_359, %shift_right_arithmetic3A_361 : vector<16xi32>
      %and3A_363 = arith.constant 7 : i32
      %and3A_364 = vector.broadcast %and3A_363 : i32 to vector<16xi32>
      %and3A_365 = arith.andi %add3A_359, %and3A_364 : vector<16xi32>
      %gather3A_366 = tpu.vector_load_idx %arg6[%broadcast_in_dim3A_326, %shift_right_arithmetic3A_362, %and3A_365, %broadcast_in_dim3A] : memref<12x8x8x128xf32, #tpu.memory_space<vmem>>[vector<16xi32>, vector<16xi32>, vector<16xi32>, vector<16xi32>], vector<16xf32>,
      %mul3A_367 = arith.constant 64 : i32
      %mul3A_368 = arith.muli %scan3A_291, %mul3A_367 : i32
      %add3A_369 = arith.constant 32 : i32
      %add3A_370 = arith.addi %mul3A_368, %add3A_369 : i32
      %swap3A_371 = arith.index_cast %add3A_370 : i32 to index
      %swap3A_372 = tpu.vector_load %arg7[%swap3A_371] {strides = array<i32>} : memref<8192xf32, #tpu.memory_space<vmem>>, vector<16xf32>,
      tpu.vector_store %arg7[%swap3A_371], %gather3A_366 {strides = array<i32>} : memref<8192xf32, #tpu.memory_space<vmem>>, vector<16xf32>,
      %add3A_373 = arith.constant 48 : i32
      %add3A_374 = vector.broadcast %add3A_373 : i32 to vector<16xi32>
      %add3A_375 = arith.addi %iota3A, %add3A_374 : vector<16xi32>
      %shift_right_arithmetic3A_376 = arith.constant 3 : i32
      %shift_right_arithmetic3A_377 = vector.broadcast %shift_right_arithmetic3A_376 : i32 to vector<16xi32>
      %shift_right_arithmetic3A_378 = arith.shrsi %add3A_375, %shift_right_arithmetic3A_377 : vector<16xi32>
      %and3A_379 = arith.constant 7 : i32
      %and3A_380 = vector.broadcast %and3A_379 : i32 to vector<16xi32>
      %and3A_381 = arith.andi %add3A_375, %and3A_380 : vector<16xi32>
      %gather3A_382 = tpu.vector_load_idx %arg6[%broadcast_in_dim3A_326, %shift_right_arithmetic3A_378, %and3A_381, %broadcast_in_dim3A] : memref<12x8x8x128xf32, #tpu.memory_space<vmem>>[vector<16xi32>, vector<16xi32>, vector<16xi32>, vector<16xi32>], vector<16xf32>,
      %mul3A_383 = arith.constant 64 : i32
      %mul3A_384 = arith.muli %scan3A_291, %mul3A_383 : i32
      %add3A_385 = arith.constant 48 : i32
      %add3A_386 = arith.addi %mul3A_384, %add3A_385 : i32
      %swap3A_387 = arith.index_cast %add3A_386 : i32 to index
      %swap3A_388 = tpu.vector_load %arg7[%swap3A_387] {strides = array<i32>} : memref<8192xf32, #tpu.memory_space<vmem>>, vector<16xf32>,
      tpu.vector_store %arg7[%swap3A_387], %gather3A_382 {strides = array<i32>} : memref<8192xf32, #tpu.memory_space<vmem>>, vector<16xf32>,
      %add3A_389 = arith.constant 11 : i32
      %add3A_390 = arith.addi %scan3A_291, %add3A_389 : i32
      %lt3A_391 = arith.constant 128 : i32
      %lt3A_392 = arith.cmpi slt, %add3A_390, %lt3A_391 : i32
      %convert_element_type3A = arith.extui %lt3A_392 : i1 to i32
      %cond3A = arith.constant 0 : i32
      %cond3A_393 = arith.cmpi ne, %convert_element_type3A, %cond3A : i32
      scf.if %cond3A_393 {
        %add3A_395 = arith.constant 11 : i32
        %add3A_396 = arith.addi %scan3A_291, %add3A_395 : i32
        %add3A_397 = arith.constant 11 : i32
        %add3A_398 = arith.addi %scan3A_291, %add3A_397 : i32
        %jit3A_399 = arith.constant 12 : i32
        %eq3A_400 = arith.constant 0 : i32
        %eq3A_401 = arith.cmpi eq, %jit3A_399, %eq3A_400 : i32
        %jit3A_402 = arith.constant 1 : i32
        %select_n3A_403 = arith.select %eq3A_401, %jit3A_402, %jit3A_399 : i32
        %rem3A_404 = arith.remsi %add3A_398, %select_n3A_403 : i32
        %ne3A_405 = arith.constant 0 : i32
        %ne3A_406 = arith.cmpi ne, %rem3A_404, %ne3A_405 : i32
        %lt3A_407 = arith.constant 0 : i32
        %lt3A_408 = arith.cmpi slt, %rem3A_404, %lt3A_407 : i32
        %lt3A_409 = arith.constant 0 : i32
        %lt3A_410 = arith.cmpi slt, %select_n3A_403, %lt3A_409 : i32
        %ne3A_411 = arith.xori %lt3A_408, %lt3A_410 : i1
        %and3A_412 = arith.andi %ne3A_411, %ne3A_406 : i1
        %add3A_413 = arith.addi %rem3A_404, %select_n3A_403 : i32
        %select_n3A_414 = arith.select %and3A_412, %add3A_413, %rem3A_404 : i32
        %get3A_415 = arith.index_cast %add3A_396 : i32 to index
        %get3A_416 = tpu.vector_load %arg5[%get3A_415] {strides = array<i32>} : memref<160xi32, #tpu.memory_space<vmem>>, vector<16xi32>,
        %slice3A_417 = vector.extract_strided_slice %get3A_416 {offsets = [0], sizes = [1], strides = [1]} : vector<16xi32> to vector<1xi32>
        %squeeze3A_418 = vector.extract %slice3A_417[0] : i32 from vector<1xi32>
        %shift_right_arithmetic3A_419 = arith.constant 7 : i32
        %shift_right_arithmetic3A_420 = arith.shrsi %squeeze3A_418, %shift_right_arithmetic3A_419 : i32
        %mul3A_421 = arith.constant 128 : i32
        %mul3A_422 = arith.muli %shift_right_arithmetic3A_420, %mul3A_421 : i32
        %multiple_of3A_423 = tpu.assume_multiple %mul3A_422, 128 : i32
        %dma_start3A_424 = arith.constant 0 : i32
        %dma_start3A_425 = arith.constant 0 : i32
        %dma_start3A_426 = arith.constant 0 : i32
        %dma_start3A_427 = tpu.memref_slice %arg6[%select_n3A_414, %dma_start3A_424, %dma_start3A_425, %dma_start3A_426] : memref<12x8x8x128xf32, #tpu.memory_space<vmem>> -> memref<1x8x8x128xf32, #tpu.memory_space<vmem>>
        %dma_start3A_428 = tpu.memref_squeeze %dma_start3A_427 : memref<1x8x8x128xf32, #tpu.memory_space<vmem>> -> memref<8x8x128xf32, #tpu.memory_space<vmem>>
        %dma_start3A_429 = arith.constant 0 : i32
        %dma_start3A_430 = arith.constant 0 : i32
        %dma_start3A_431 = tpu.memref_slice %arg2[%dma_start3A_429, %dma_start3A_430, %multiple_of3A_423] : memref<8x8x1000000xf32, #tpu.memory_space<hbm>> -> memref<8x8x128xf32, #tpu.memory_space<hbm>>
        %dma_start3A_432 = arith.constant 0 : i32
        %dma_start3A_433 = arith.constant 0 : i32
        %dma_start3A_434 = arith.constant 0 : i32
        %dma_start3A_435 = tpu.memref_slice %arg6[%select_n3A_414, %dma_start3A_432, %dma_start3A_433, %dma_start3A_434] : memref<12x8x8x128xf32, #tpu.memory_space<vmem>> -> memref<1x8x8x128xf32, #tpu.memory_space<vmem>>
        %dma_start3A_436 = tpu.memref_squeeze %dma_start3A_435 : memref<1x8x8x128xf32, #tpu.memory_space<vmem>> -> memref<8x8x128xf32, #tpu.memory_space<vmem>>
        %dma_start3A_437 = arith.constant 0 : i32
        %dma_start3A_438 = arith.constant 0 : i32
        %dma_start3A_439 = tpu.memref_slice %arg2[%dma_start3A_437, %dma_start3A_438, %multiple_of3A_423] : memref<8x8x1000000xf32, #tpu.memory_space<hbm>> -> memref<8x8x128xf32, #tpu.memory_space<hbm>>
        tpu.enqueue_dma source(%dma_start3A_439 : memref<8x8x128xf32, #tpu.memory_space<hbm>>) target(%dma_start3A_436 : memref<8x8x128xf32, #tpu.memory_space<vmem>>) target_semaphore(%arg8 : memref<!tpu.dma_semaphore, #tpu.memory_space<semaphore_mem>>)
      } else {
      }
      %scan3A_394 = arith.constant 0 : i32
      scf.yield %scan3A_394 : i32
    }
    %scan3A_288 = arith.constant 128 : i32
    %mul3A_289 = arith.constant 64 : i32
    %mul3A_290 = arith.muli %mul3A_2, %mul3A_289 : i32
    "tpu.region"() ({
      %run_scoped3A = tpu.sem_alloc : memref<!tpu.dma_semaphore, #tpu.memory_space<semaphore_mem>>
      %dma_start3A_291 = tpu.memref_slice %arg4[%mul3A_290] : memref<262144xf32, #tpu.memory_space<hbm>> -> memref<8192xf32, #tpu.memory_space<hbm>>
      %dma_start3A_292 = tpu.memref_slice %arg4[%mul3A_290] : memref<262144xf32, #tpu.memory_space<hbm>> -> memref<8192xf32, #tpu.memory_space<hbm>>
      tpu.enqueue_dma source(%arg7 : memref<8192xf32, #tpu.memory_space<vmem>>) target(%dma_start3A_292 : memref<8192xf32, #tpu.memory_space<hbm>>) target_semaphore(%run_scoped3A : memref<!tpu.dma_semaphore, #tpu.memory_space<semaphore_mem>>)
      %dma_wait3A = tpu.memref_slice %arg4[%mul3A_290] : memref<262144xf32, #tpu.memory_space<hbm>> -> memref<8192xf32, #tpu.memory_space<hbm>>
      %dma_wait3A_293 = tpu.memref_slice %arg4[%mul3A_290] : memref<262144xf32, #tpu.memory_space<hbm>> -> memref<8192xf32, #tpu.memory_space<hbm>>
      tpu.wait_dma2 semaphore(%run_scoped3A : memref<!tpu.dma_semaphore, #tpu.memory_space<semaphore_mem>>) src(%arg7 : memref<8192xf32, #tpu.memory_space<vmem>>) dst(%dma_wait3A_293 : memref<8192xf32, #tpu.memory_space<hbm>>)
      tpu.yield
    }) : () -> ()
    return
  }
}

module attributes {stable_mosaic.version = 14 : i64} {
  func.func @_pad_t_body(%arg0: i32, %arg1: memref<64x2048xf32, #tpu.memory_space<vmem>>, %arg2: memref<64x2048xf32, #tpu.memory_space<vmem>>, %arg3: memref<64x2048xf32, #tpu.memory_space<vmem>>, %arg4: memref<2048x128xf32, #tpu.memory_space<vmem>>, %arg5: memref<2048x128xf32, #tpu.memory_space<vmem>>, %arg6: memref<2048x128xf32, #tpu.memory_space<vmem>>) attributes {dimension_semantics = [#tpu.dimension_semantics<arbitrary>], iteration_bounds = array<i64: 49>, scalar_prefetch = 0 : i64, scratch_operands = 0 : i64, tpu.core_type = #tpu.core_type<tc>, window_params = [{transform_indices = @transform_0, window_bounds = array<i64: 64, 2048>}, {transform_indices = @transform_1, window_bounds = array<i64: 64, 2048>}, {transform_indices = @transform_2, window_bounds = array<i64: 64, 2048>}, {transform_indices = @transform_3, window_bounds = array<i64: 2048, 128>}, {transform_indices = @transform_4, window_bounds = array<i64: 2048, 128>}, {transform_indices = @transform_5, window_bounds = array<i64: 2048, 128>}]} {
    %get3A = arith.constant 0 : index
    %get3A_0 = arith.constant 0 : index
    %get3A_1 = vector.load %arg1[%get3A, %get3A_0] : memref<64x2048xf32, #tpu.memory_space<vmem>>, vector<64x2048xf32>
    %transpose3A = tpu.transpose %get3A_1, [1, 0] : vector<64x2048xf32> -> vector<2048x64xf32>
    %swap3A = arith.constant 0 : index
    %swap3A_2 = arith.constant 0 : index
    %swap3A_3 = vector.load %arg4[%swap3A, %swap3A_2] : memref<2048x128xf32, #tpu.memory_space<vmem>>, vector<2048x64xf32>
    tpu.vector_store %arg4[%swap3A, %swap3A_2], %transpose3A {strides = array<i32>} : memref<2048x128xf32, #tpu.memory_space<vmem>>, vector<2048x64xf32>,
    %get3A_4 = arith.constant 0 : index
    %get3A_5 = arith.constant 0 : index
    %get3A_6 = vector.load %arg2[%get3A_4, %get3A_5] : memref<64x2048xf32, #tpu.memory_space<vmem>>, vector<64x2048xf32>
    %transpose3A_7 = tpu.transpose %get3A_6, [1, 0] : vector<64x2048xf32> -> vector<2048x64xf32>
    %swap3A_8 = arith.constant 0 : index
    %swap3A_9 = arith.constant 0 : index
    %swap3A_10 = vector.load %arg5[%swap3A_8, %swap3A_9] : memref<2048x128xf32, #tpu.memory_space<vmem>>, vector<2048x64xf32>
    tpu.vector_store %arg5[%swap3A_8, %swap3A_9], %transpose3A_7 {strides = array<i32>} : memref<2048x128xf32, #tpu.memory_space<vmem>>, vector<2048x64xf32>,
    %get3A_11 = arith.constant 0 : index
    %get3A_12 = arith.constant 0 : index
    %get3A_13 = vector.load %arg3[%get3A_11, %get3A_12] : memref<64x2048xf32, #tpu.memory_space<vmem>>, vector<64x2048xf32>
    %transpose3A_14 = tpu.transpose %get3A_13, [1, 0] : vector<64x2048xf32> -> vector<2048x64xf32>
    %swap3A_15 = arith.constant 0 : index
    %swap3A_16 = arith.constant 0 : index
    %swap3A_17 = vector.load %arg6[%swap3A_15, %swap3A_16] : memref<2048x128xf32, #tpu.memory_space<vmem>>, vector<2048x64xf32>
    tpu.vector_store %arg6[%swap3A_15, %swap3A_16], %transpose3A_14 {strides = array<i32>} : memref<2048x128xf32, #tpu.memory_space<vmem>>, vector<2048x64xf32>,
    return
  }
  func.func @transform_0(%arg0: i32) -> (i32, i32) {
    %c0_i32 = arith.constant 0 : i32
    %c0_i32_0 = arith.constant 0 : i32
    return %c0_i32, %arg0 : i32, i32
  }
  func.func @transform_1(%arg0: i32) -> (i32, i32) {
    %c0_i32 = arith.constant 0 : i32
    %c0_i32_0 = arith.constant 0 : i32
    return %c0_i32, %arg0 : i32, i32
  }
  func.func @transform_2(%arg0: i32) -> (i32, i32) {
    %c0_i32 = arith.constant 0 : i32
    %c0_i32_0 = arith.constant 0 : i32
    return %c0_i32, %arg0 : i32, i32
  }
  func.func @transform_3(%arg0: i32) -> (i32, i32) {
    %c0_i32 = arith.constant 0 : i32
    %c0_i32_0 = arith.constant 0 : i32
    return %arg0, %c0_i32 : i32, i32
  }
  func.func @transform_4(%arg0: i32) -> (i32, i32) {
    %c0_i32 = arith.constant 0 : i32
    %c0_i32_0 = arith.constant 0 : i32
    return %arg0, %c0_i32 : i32, i32
  }
  func.func @transform_5(%arg0: i32) -> (i32, i32) {
    %c0_i32 = arith.constant 0 : i32
    %c0_i32_0 = arith.constant 0 : i32
    return %arg0, %c0_i32 : i32, i32
  }
}

module attributes {stable_mosaic.version = 14 : i64} {
  func.func @_mlp_body(%arg0: i32, %arg1: memref<4x512x128xf32, #tpu.memory_space<vmem>>, %arg2: memref<512x64xf32, #tpu.memory_space<vmem>>, %arg3: memref<512x1xf32, #tpu.memory_space<vmem>>, %arg4: memref<512x5xf32, #tpu.memory_space<vmem>>, %arg5: memref<4x64x256xf32, #tpu.memory_space<vmem>>, %arg6: memref<64x256xf32, #tpu.memory_space<vmem>>, %arg7: memref<1x256xf32, #tpu.memory_space<vmem>>, %arg8: memref<1x256xf32, #tpu.memory_space<vmem>>, %arg9: memref<256x128xf32, #tpu.memory_space<vmem>>, %arg10: memref<1x128xf32, #tpu.memory_space<vmem>>, %arg11: memref<128x64xf32, #tpu.memory_space<vmem>>, %arg12: memref<1x64xf32, #tpu.memory_space<vmem>>, %arg13: memref<64x1xf32, #tpu.memory_space<vmem>>, %arg14: memref<5x1xf32, #tpu.memory_space<vmem>>, %arg15: memref<1x1xf32, #tpu.memory_space<vmem>>, %arg16: memref<512x1xf32, #tpu.memory_space<vmem>>) attributes {dimension_semantics = [#tpu.dimension_semantics<arbitrary>], iteration_bounds = array<i64: 8>, scalar_prefetch = 0 : i64, scratch_operands = 0 : i64, tpu.core_type = #tpu.core_type<tc>, window_params = [{transform_indices = @transform_0, window_bounds = array<i64: 4, 512, 128>}, {transform_indices = @transform_1, window_bounds = array<i64: 512, 64>}, {transform_indices = @transform_2, window_bounds = array<i64: 512, 1>}, {transform_indices = @transform_3, window_bounds = array<i64: 512, 5>}, {pipeline_mode = #tpu.pipeline_mode<synchronous>, transform_indices = @transform_4, window_bounds = array<i64: 4, 64, 256>}, {pipeline_mode = #tpu.pipeline_mode<synchronous>, transform_indices = @transform_5, window_bounds = array<i64: 64, 256>}, {pipeline_mode = #tpu.pipeline_mode<synchronous>, transform_indices = @transform_6, window_bounds = array<i64: 1, 256>}, {pipeline_mode = #tpu.pipeline_mode<synchronous>, transform_indices = @transform_7, window_bounds = array<i64: 1, 256>}, {pipeline_mode = #tpu.pipeline_mode<synchronous>, transform_indices = @transform_8, window_bounds = array<i64: 256, 128>}, {pipeline_mode = #tpu.pipeline_mode<synchronous>, transform_indices = @transform_9, window_bounds = array<i64: 1, 128>}, {pipeline_mode = #tpu.pipeline_mode<synchronous>, transform_indices = @transform_10, window_bounds = array<i64: 128, 64>}, {pipeline_mode = #tpu.pipeline_mode<synchronous>, transform_indices = @transform_11, window_bounds = array<i64: 1, 64>}, {pipeline_mode = #tpu.pipeline_mode<synchronous>, transform_indices = @transform_12, window_bounds = array<i64: 64, 1>}, {pipeline_mode = #tpu.pipeline_mode<synchronous>, transform_indices = @transform_13, window_bounds = array<i64: 5, 1>}, {pipeline_mode = #tpu.pipeline_mode<synchronous>, transform_indices = @transform_14, window_bounds = array<i64: 1, 1>}, {transform_indices = @transform_15, window_bounds = array<i64: 512, 1>}]} {
    %get3A = arith.constant 0 : index
    %get3A_0 = arith.constant 0 : index
    %get3A_1 = vector.load %arg3[%get3A, %get3A_0] : memref<512x1xf32, #tpu.memory_space<vmem>>, vector<512x1xf32>
    %get3A_2 = arith.constant 0 : index
    %get3A_3 = arith.constant 0 : index
    %get3A_4 = vector.load %arg7[%get3A_2, %get3A_3] : memref<1x256xf32, #tpu.memory_space<vmem>>, vector<1x256xf32>
    %mul3A = vector.broadcast %get3A_1 : vector<512x1xf32> to vector<512x256xf32>
    %mul3A_5 = vector.broadcast %get3A_4 : vector<1x256xf32> to vector<512x256xf32>
    %mul3A_6 = arith.mulf %mul3A, %mul3A_5 : vector<512x256xf32>
    %get3A_7 = arith.constant 0 : index
    %get3A_8 = arith.constant 0 : index
    %get3A_9 = vector.load %arg8[%get3A_7, %get3A_8] : memref<1x256xf32, #tpu.memory_space<vmem>>, vector<1x256xf32>
    %add3A = vector.broadcast %get3A_9 : vector<1x256xf32> to vector<512x256xf32>
    %add3A_10 = arith.addf %mul3A_6, %add3A : vector<512x256xf32>
    %get3A_11 = arith.constant 0 : index
    %get3A_12 = arith.constant 0 : index
    %get3A_13 = arith.constant 0 : index
    %get3A_14 = vector.load %arg1[%get3A_11, %get3A_12, %get3A_13] : memref<4x512x128xf32, #tpu.memory_space<vmem>>, vector<1x512x128xf32>
    %get3A_15 = vector.shape_cast %get3A_14 : vector<1x512x128xf32> to vector<512x128xf32>
    %slice3A = vector.extract_strided_slice %get3A_15 {offsets = [0, 0], sizes = [512, 64], strides = [1, 1]} : vector<512x128xf32> to vector<512x64xf32>
    %get3A_16 = arith.constant 0 : index
    %get3A_17 = arith.constant 0 : index
    %get3A_18 = arith.constant 0 : index
    %get3A_19 = vector.load %arg5[%get3A_16, %get3A_17, %get3A_18] : memref<4x64x256xf32, #tpu.memory_space<vmem>>, vector<1x64x256xf32>
    %get3A_20 = vector.shape_cast %get3A_19 : vector<1x64x256xf32> to vector<64x256xf32>
    %dot_general3A = arith.constant dense<0.000000e+00> : vector<512x256xf32>
    %dot_general3A_21 = tpu.matmul %slice3A, %get3A_20, %dot_general3A {dimension_numbers = #tpu.dot_dimension_numbers<[1], [0], [0], [1], [0, 0, 1, 1], [], []>, transpose_lhs_hint = false} : vector<512x64xf32>, vector<64x256xf32>, vector<512x256xf32> -> vector<512x256xf32>
    %add3A_22 = arith.addf %add3A_10, %dot_general3A_21 : vector<512x256xf32>
    %get3A_23 = arith.constant 1 : index
    %get3A_24 = arith.constant 0 : index
    %get3A_25 = arith.constant 0 : index
    %get3A_26 = vector.load %arg1[%get3A_23, %get3A_24, %get3A_25] : memref<4x512x128xf32, #tpu.memory_space<vmem>>, vector<1x512x128xf32>
    %get3A_27 = vector.shape_cast %get3A_26 : vector<1x512x128xf32> to vector<512x128xf32>
    %slice3A_28 = vector.extract_strided_slice %get3A_27 {offsets = [0, 0], sizes = [512, 64], strides = [1, 1]} : vector<512x128xf32> to vector<512x64xf32>
    %get3A_29 = arith.constant 1 : index
    %get3A_30 = arith.constant 0 : index
    %get3A_31 = arith.constant 0 : index
    %get3A_32 = vector.load %arg5[%get3A_29, %get3A_30, %get3A_31] : memref<4x64x256xf32, #tpu.memory_space<vmem>>, vector<1x64x256xf32>
    %get3A_33 = vector.shape_cast %get3A_32 : vector<1x64x256xf32> to vector<64x256xf32>
    %dot_general3A_34 = arith.constant dense<0.000000e+00> : vector<512x256xf32>
    %dot_general3A_35 = tpu.matmul %slice3A_28, %get3A_33, %dot_general3A_34 {dimension_numbers = #tpu.dot_dimension_numbers<[1], [0], [0], [1], [0, 0, 1, 1], [], []>, transpose_lhs_hint = false} : vector<512x64xf32>, vector<64x256xf32>, vector<512x256xf32> -> vector<512x256xf32>
    %add3A_36 = arith.addf %add3A_22, %dot_general3A_35 : vector<512x256xf32>
    %get3A_37 = arith.constant 2 : index
    %get3A_38 = arith.constant 0 : index
    %get3A_39 = arith.constant 0 : index
    %get3A_40 = vector.load %arg1[%get3A_37, %get3A_38, %get3A_39] : memref<4x512x128xf32, #tpu.memory_space<vmem>>, vector<1x512x128xf32>
    %get3A_41 = vector.shape_cast %get3A_40 : vector<1x512x128xf32> to vector<512x128xf32>
    %slice3A_42 = vector.extract_strided_slice %get3A_41 {offsets = [0, 0], sizes = [512, 64], strides = [1, 1]} : vector<512x128xf32> to vector<512x64xf32>
    %get3A_43 = arith.constant 2 : index
    %get3A_44 = arith.constant 0 : index
    %get3A_45 = arith.constant 0 : index
    %get3A_46 = vector.load %arg5[%get3A_43, %get3A_44, %get3A_45] : memref<4x64x256xf32, #tpu.memory_space<vmem>>, vector<1x64x256xf32>
    %get3A_47 = vector.shape_cast %get3A_46 : vector<1x64x256xf32> to vector<64x256xf32>
    %dot_general3A_48 = arith.constant dense<0.000000e+00> : vector<512x256xf32>
    %dot_general3A_49 = tpu.matmul %slice3A_42, %get3A_47, %dot_general3A_48 {dimension_numbers = #tpu.dot_dimension_numbers<[1], [0], [0], [1], [0, 0, 1, 1], [], []>, transpose_lhs_hint = false} : vector<512x64xf32>, vector<64x256xf32>, vector<512x256xf32> -> vector<512x256xf32>
    %add3A_50 = arith.addf %add3A_36, %dot_general3A_49 : vector<512x256xf32>
    %get3A_51 = arith.constant 3 : index
    %get3A_52 = arith.constant 0 : index
    %get3A_53 = arith.constant 0 : index
    %get3A_54 = vector.load %arg1[%get3A_51, %get3A_52, %get3A_53] : memref<4x512x128xf32, #tpu.memory_space<vmem>>, vector<1x512x128xf32>
    %get3A_55 = vector.shape_cast %get3A_54 : vector<1x512x128xf32> to vector<512x128xf32>
    %slice3A_56 = vector.extract_strided_slice %get3A_55 {offsets = [0, 0], sizes = [512, 64], strides = [1, 1]} : vector<512x128xf32> to vector<512x64xf32>
    %get3A_57 = arith.constant 3 : index
    %get3A_58 = arith.constant 0 : index
    %get3A_59 = arith.constant 0 : index
    %get3A_60 = vector.load %arg5[%get3A_57, %get3A_58, %get3A_59] : memref<4x64x256xf32, #tpu.memory_space<vmem>>, vector<1x64x256xf32>
    %get3A_61 = vector.shape_cast %get3A_60 : vector<1x64x256xf32> to vector<64x256xf32>
    %dot_general3A_62 = arith.constant dense<0.000000e+00> : vector<512x256xf32>
    %dot_general3A_63 = tpu.matmul %slice3A_56, %get3A_61, %dot_general3A_62 {dimension_numbers = #tpu.dot_dimension_numbers<[1], [0], [0], [1], [0, 0, 1, 1], [], []>, transpose_lhs_hint = false} : vector<512x64xf32>, vector<64x256xf32>, vector<512x256xf32> -> vector<512x256xf32>
    %add3A_64 = arith.addf %add3A_50, %dot_general3A_63 : vector<512x256xf32>
    %get3A_65 = arith.constant 0 : index
    %get3A_66 = arith.constant 0 : index
    %get3A_67 = vector.load %arg2[%get3A_65, %get3A_66] : memref<512x64xf32, #tpu.memory_space<vmem>>, vector<512x64xf32>
    %get3A_68 = arith.constant 0 : index
    %get3A_69 = arith.constant 0 : index
    %get3A_70 = vector.load %arg6[%get3A_68, %get3A_69] : memref<64x256xf32, #tpu.memory_space<vmem>>, vector<64x256xf32>
    %dot_general3A_71 = arith.constant dense<0.000000e+00> : vector<512x256xf32>
    %dot_general3A_72 = tpu.matmul %get3A_67, %get3A_70, %dot_general3A_71 {dimension_numbers = #tpu.dot_dimension_numbers<[1], [0], [0], [1], [0, 0, 1, 1], [], []>, transpose_lhs_hint = false} : vector<512x64xf32>, vector<64x256xf32>, vector<512x256xf32> -> vector<512x256xf32>
    %add3A_73 = arith.addf %add3A_64, %dot_general3A_72 : vector<512x256xf32>
    %max3A = arith.constant 0.000000e+00 : f32
    %max3A_74 = vector.broadcast %max3A : f32 to vector<512x256xf32>
    %max3A_75 = arith.maximumf %add3A_73, %max3A_74 : vector<512x256xf32>
    %get3A_76 = arith.constant 0 : index
    %get3A_77 = arith.constant 0 : index
    %get3A_78 = vector.load %arg9[%get3A_76, %get3A_77] : memref<256x128xf32, #tpu.memory_space<vmem>>, vector<256x128xf32>
    %dot_general3A_79 = arith.constant dense<0.000000e+00> : vector<512x128xf32>
    %dot_general3A_80 = tpu.matmul %max3A_75, %get3A_78, %dot_general3A_79 {dimension_numbers = #tpu.dot_dimension_numbers<[1], [0], [0], [1], [0, 0, 1, 1], [], []>, transpose_lhs_hint = false} : vector<512x256xf32>, vector<256x128xf32>, vector<512x128xf32> -> vector<512x128xf32>
    %get3A_81 = arith.constant 0 : index
    %get3A_82 = arith.constant 0 : index
    %get3A_83 = vector.load %arg10[%get3A_81, %get3A_82] : memref<1x128xf32, #tpu.memory_space<vmem>>, vector<1x128xf32>
    %add3A_84 = vector.broadcast %get3A_83 : vector<1x128xf32> to vector<512x128xf32>
    %add3A_85 = arith.addf %dot_general3A_80, %add3A_84 : vector<512x128xf32>
    %max3A_86 = arith.constant 0.000000e+00 : f32
    %max3A_87 = vector.broadcast %max3A_86 : f32 to vector<512x128xf32>
    %max3A_88 = arith.maximumf %add3A_85, %max3A_87 : vector<512x128xf32>
    %get3A_89 = arith.constant 0 : index
    %get3A_90 = arith.constant 0 : index
    %get3A_91 = vector.load %arg11[%get3A_89, %get3A_90] : memref<128x64xf32, #tpu.memory_space<vmem>>, vector<128x64xf32>
    %dot_general3A_92 = arith.constant dense<0.000000e+00> : vector<512x64xf32>
    %dot_general3A_93 = tpu.matmul %max3A_88, %get3A_91, %dot_general3A_92 {dimension_numbers = #tpu.dot_dimension_numbers<[1], [0], [0], [1], [0, 0, 1, 1], [], []>, transpose_lhs_hint = false} : vector<512x128xf32>, vector<128x64xf32>, vector<512x64xf32> -> vector<512x64xf32>
    %get3A_94 = arith.constant 0 : index
    %get3A_95 = arith.constant 0 : index
    %get3A_96 = vector.load %arg12[%get3A_94, %get3A_95] : memref<1x64xf32, #tpu.memory_space<vmem>>, vector<1x64xf32>
    %add3A_97 = vector.broadcast %get3A_96 : vector<1x64xf32> to vector<512x64xf32>
    %add3A_98 = arith.addf %dot_general3A_93, %add3A_97 : vector<512x64xf32>
    %max3A_99 = arith.constant 0.000000e+00 : f32
    %max3A_100 = vector.broadcast %max3A_99 : f32 to vector<512x64xf32>
    %max3A_101 = arith.maximumf %add3A_98, %max3A_100 : vector<512x64xf32>
    %get3A_102 = arith.constant 0 : index
    %get3A_103 = arith.constant 0 : index
    %get3A_104 = vector.load %arg13[%get3A_102, %get3A_103] : memref<64x1xf32, #tpu.memory_space<vmem>>, vector<64x1xf32>
    %dot_general3A_105 = arith.constant dense<0.000000e+00> : vector<512x1xf32>
    %dot_general3A_106 = tpu.matmul %max3A_101, %get3A_104, %dot_general3A_105 {dimension_numbers = #tpu.dot_dimension_numbers<[1], [0], [0], [1], [0, 0, 1, 1], [], []>, transpose_lhs_hint = false} : vector<512x64xf32>, vector<64x1xf32>, vector<512x1xf32> -> vector<512x1xf32>
    %get3A_107 = arith.constant 0 : index
    %get3A_108 = arith.constant 0 : index
    %get3A_109 = vector.load %arg4[%get3A_107, %get3A_108] : memref<512x5xf32, #tpu.memory_space<vmem>>, vector<512x5xf32>
    %get3A_110 = arith.constant 0 : index
    %get3A_111 = arith.constant 0 : index
    %get3A_112 = vector.load %arg14[%get3A_110, %get3A_111] : memref<5x1xf32, #tpu.memory_space<vmem>>, vector<5x1xf32>
    %dot_general3A_113 = arith.constant dense<0.000000e+00> : vector<512x1xf32>
    %dot_general3A_114 = tpu.matmul %get3A_109, %get3A_112, %dot_general3A_113 {dimension_numbers = #tpu.dot_dimension_numbers<[1], [0], [0], [1], [0, 0, 1, 1], [], []>, transpose_lhs_hint = false} : vector<512x5xf32>, vector<5x1xf32>, vector<512x1xf32> -> vector<512x1xf32>
    %add3A_115 = arith.addf %dot_general3A_106, %dot_general3A_114 : vector<512x1xf32>
    %get3A_116 = arith.constant 0 : index
    %get3A_117 = arith.constant 0 : index
    %get3A_118 = vector.load %arg15[%get3A_116, %get3A_117] : memref<1x1xf32, #tpu.memory_space<vmem>>, vector<1x1xf32>
    %add3A_119 = vector.broadcast %get3A_118 : vector<1x1xf32> to vector<512x1xf32>
    %add3A_120 = arith.addf %add3A_115, %add3A_119 : vector<512x1xf32>
    %swap3A = arith.constant 0 : index
    %swap3A_121 = arith.constant 0 : index
    %swap3A_122 = vector.load %arg16[%swap3A, %swap3A_121] : memref<512x1xf32, #tpu.memory_space<vmem>>, vector<512x1xf32>
    tpu.vector_store %arg16[%swap3A, %swap3A_121], %add3A_120 {strides = array<i32>} : memref<512x1xf32, #tpu.memory_space<vmem>>, vector<512x1xf32>,
    return
  }
  func.func @transform_0(%arg0: i32) -> (i32, i32, i32) {
    %c0_i32 = arith.constant 0 : i32
    %c0_i32_0 = arith.constant 0 : i32
    %c0_i32_1 = arith.constant 0 : i32
    return %c0_i32, %arg0, %c0_i32_0 : i32, i32, i32
  }
  func.func @transform_1(%arg0: i32) -> (i32, i32) {
    %c0_i32 = arith.constant 0 : i32
    %c0_i32_0 = arith.constant 0 : i32
    return %arg0, %c0_i32 : i32, i32
  }
  func.func @transform_2(%arg0: i32) -> (i32, i32) {
    %c0_i32 = arith.constant 0 : i32
    %c0_i32_0 = arith.constant 0 : i32
    return %arg0, %c0_i32 : i32, i32
  }
  func.func @transform_3(%arg0: i32) -> (i32, i32) {
    %c0_i32 = arith.constant 0 : i32
    %c0_i32_0 = arith.constant 0 : i32
    return %arg0, %c0_i32 : i32, i32
  }
  func.func @transform_4(%arg0: i32) -> (i32, i32, i32) {
    %c0_i32 = arith.constant 0 : i32
    %c0_i32_0 = arith.constant 0 : i32
    %c0_i32_1 = arith.constant 0 : i32
    %c0_i32_2 = arith.constant 0 : i32
    return %c0_i32, %c0_i32_0, %c0_i32_1 : i32, i32, i32
  }
  func.func @transform_5(%arg0: i32) -> (i32, i32) {
    %c0_i32 = arith.constant 0 : i32
    %c0_i32_0 = arith.constant 0 : i32
    %c0_i32_1 = arith.constant 0 : i32
    return %c0_i32, %c0_i32_0 : i32, i32
  }
  func.func @transform_6(%arg0: i32) -> (i32, i32) {
    %c0_i32 = arith.constant 0 : i32
    %c0_i32_0 = arith.constant 0 : i32
    %c0_i32_1 = arith.constant 0 : i32
    return %c0_i32, %c0_i32_0 : i32, i32
  }
  func.func @transform_7(%arg0: i32) -> (i32, i32) {
    %c0_i32 = arith.constant 0 : i32
    %c0_i32_0 = arith.constant 0 : i32
    %c0_i32_1 = arith.constant 0 : i32
    return %c0_i32, %c0_i32_0 : i32, i32
  }
  func.func @transform_8(%arg0: i32) -> (i32, i32) {
    %c0_i32 = arith.constant 0 : i32
    %c0_i32_0 = arith.constant 0 : i32
    %c0_i32_1 = arith.constant 0 : i32
    return %c0_i32, %c0_i32_0 : i32, i32
  }
  func.func @transform_9(%arg0: i32) -> (i32, i32) {
    %c0_i32 = arith.constant 0 : i32
    %c0_i32_0 = arith.constant 0 : i32
    %c0_i32_1 = arith.constant 0 : i32
    return %c0_i32, %c0_i32_0 : i32, i32
  }
  func.func @transform_10(%arg0: i32) -> (i32, i32) {
    %c0_i32 = arith.constant 0 : i32
    %c0_i32_0 = arith.constant 0 : i32
    %c0_i32_1 = arith.constant 0 : i32
    return %c0_i32, %c0_i32_0 : i32, i32
  }
  func.func @transform_11(%arg0: i32) -> (i32, i32) {
    %c0_i32 = arith.constant 0 : i32
    %c0_i32_0 = arith.constant 0 : i32
    %c0_i32_1 = arith.constant 0 : i32
    return %c0_i32, %c0_i32_0 : i32, i32
  }
  func.func @transform_12(%arg0: i32) -> (i32, i32) {
    %c0_i32 = arith.constant 0 : i32
    %c0_i32_0 = arith.constant 0 : i32
    %c0_i32_1 = arith.constant 0 : i32
    return %c0_i32, %c0_i32_0 : i32, i32
  }
  func.func @transform_13(%arg0: i32) -> (i32, i32) {
    %c0_i32 = arith.constant 0 : i32
    %c0_i32_0 = arith.constant 0 : i32
    %c0_i32_1 = arith.constant 0 : i32
    return %c0_i32, %c0_i32_0 : i32, i32
  }
  func.func @transform_14(%arg0: i32) -> (i32, i32) {
    %c0_i32 = arith.constant 0 : i32
    %c0_i32_0 = arith.constant 0 : i32
    %c0_i32_1 = arith.constant 0 : i32
    return %c0_i32, %c0_i32_0 : i32, i32
  }
  func.func @transform_15(%arg0: i32) -> (i32, i32) {
    %c0_i32 = arith.constant 0 : i32
    %c0_i32_0 = arith.constant 0 : i32
    return %arg0, %c0_i32 : i32, i32
  }
}

</mosaic_0001>

<sc_bundles>
// kernel: kernel.6.cloned.1.call-start
scs
__scs_entry_jumppad:
0x0: {  	(pc) =	sbr.rel $0x88, $3  }
0x1: {  	(tag) =	ssettag $0x0;
	lr =	simm.s32 $0x1  }
0x2: {  	[smem:$0x3F7F] =	sst lr;
	_ =	strace $0xD0000000  }
0x3: {  	_ = 	snop  }
0x4: {  	_ = 	snop  }
0x5: {  	_ = 	snop  }
0x6: {  	_ = 	snop  }
0x7: {  	_ = 	snop  }
__scs_overlays_trampoline_lowered:
0x8: {  	[smem:$0x3F8E] =	sst s0  }
0x9: {  	[smem:$0x3F8F] =	sst s1  }
0xa: {  	[smem:$0x3F90] =	sst s2  }
0xb: {  	[smem:$0x3F91] =	sst s3  }
0xc: {  	[smem:$0x3F92] =	sst s4  }
0xd: {  	[smem:$0x3F93] =	sst s5  }
0xe: {  	[smem:$0x3F94] =	sst s6  }
0xf: {  	[smem:$0x3F95] =	sst s7  }
0x10: {  	[smem:$0x3F96] =	sst s8  }
0x11: {  	[smem:$0x3F97] =	sst s9;
	s0 =	simm.s32 @!p0 $0x0  }
0x12: {  	s1 =	sld [smem:$0x3F7D];
	s0 =	simm.s32 @p0 $0x1  }
0x13: {  	[smem:$0x3F98] =	sst s0;
	s0 =	simm.s32 @!p1 $0x0  }
0x14: {  	s2 =	sld [smem:$0x3F7C];
	s0 =	simm.s32 @p1 $0x1  }
0x15: {  	[smem:$0x3F99] =	sst s0;
	s0 =	simm.s32 @!p2 $0x0  }
0x16: {  	s3 =	sld [smem:$0x3FDB];
	s0 =	simm.s32 @p2 $0x1  }
0x17: {  	s4 =	simm.s32 $0x1BF5;
	[smem:$0x3F9B] =	sst s0  }
0x18: {  	s0 =	sld [smem:$0x3F7E];
	_ =	swait.ge [sflag:s4], $0x0  }
0x19: {  	s7 =	sld [smem:$0x3F7F]  }
0x1a: {  	s8 =	sadd.s32 $0xFFFFE003, lr  }
0x1b: {  	s9 =	sadd.s32 $0xFFFFFEF7, lr;
	s5 =	simm.s32 $0xFFFFFFFF;
	p2 =	slt.u32 s8, $0xFFFFF086  }
0x1c: {  	p1 =	slt.u32 s9, $0xF7A;
	s5 =	simm.s32 @!p2 $0x0  }
0x1d: {  	s5 =	simm.s32 @p1 $0x1;
	p0 =	seq.s32 s7, s2  }
0x1e: {  	s7 =	smul.u32 @!p0 $0xF7A, s2;
	p2 =	seq.s32 @!p0 s5, $0x0  }
0x1f: {  	s9 =	smul.u32 $0xF7A, s1;
	s8 =	simm.s32 @!p0 $0x1BF5;
	p2 =	por !p2, p0  }
0x20: {  	[sflag:s8] =	ssyncset.s32 @!p0 $0xFFFFF086;
	s6 =	sadd.s32 @!p0 s3, s7;
	s7 =	simm.s32 @!p0 $0x108  }
0x21: {  	s3 =	sadd.s32 s3, s9;
	s6 =	sadd.s32 @!p0 $0x88, s6;
	s7 =	simm.s32 @p2 $0x1082  }
0x22: {  	[simem:s7], [sflag:s8] =	dma.local @!p0 [hbm:s6], $0xF7A  }
0x23: {  	s9 =	sor.u32 $0xD0000000, s2;
	s6 =	simm.s32 $0x108;
	_ =	swait.ge @!p0 [sflag:s8], $0x0  }
0x24: {  	s3 =	sadd.s32 $0x88, s3;
	s6 =	simm.s32 @!p1 $0x1082;
	[sflag:s4] =	ssyncset.s32 $0xFFFFF086  }
0x25: {  	[simem:s6], [sflag:s4] =	dma.local [hbm:s3], $0xF7A  }
0x26: {  	[smem:$0x3F7F] =	sst s1;
	(tag) =	ssettag s2;
	_ =	strace s9  }
0x27: {  	s1 =	sld [smem:$0x3F8F]  }
0x28: {  	s2 =	sld [smem:$0x3F90]  }
0x29: {  	s4 =	sld [smem:$0x3F92]  }
0x2a: {  	p0 =	seq.s32 s5, $0x0;
	s5 =	sld [smem:$0x3F93]  }
0x2b: {  	s6 =	sld [smem:$0x3F94]  }
0x2c: {  	s7 =	sld [smem:$0x3F95]  }
0x2d: {  	s3 =	simm.s32 $0x108;
	s8 =	sld [smem:$0x3F96]  }
0x2e: {  	s3 =	simm.s32 @!p0 $0x1082;
	s9 =	sld [smem:$0x3F97]  }
0x2f: {  	lr =	sadd.s32 s0, s3;
	s0 =	sld [smem:$0x3F8E]  }
0x30: {  	s3 =	sld [smem:$0x3F91]  }
0x31: {  	[smem:$0x3F9A] =	sst s10  }
0x32: {  	s10 =	sld [smem:$0x3F98];
	_ =	sdelay $0x3  }
0x33: {  	p0 =	seq.s32 s10, $0x1;
	s10 =	sld [smem:$0x3F9A];
	_ =	sdelay $0x3  }
0x34: {  	[smem:$0x3F9A] =	sst s10  }
0x35: {  	s10 =	sld [smem:$0x3F99];
	_ =	sdelay $0x3  }
0x36: {  	p1 =	seq.s32 s10, $0x1;
	s10 =	sld [smem:$0x3F9A];
	_ =	sdelay $0x3  }
0x37: {  	[smem:$0x3F9A] =	sst s10  }
0x38: {  	s10 =	sld [smem:$0x3F9B]  }
0x39: {  	_ = 	snop;
	(pc) =	sbr.ind lr, $3  }
0x3a: {  	_ = 	snop  }
0x3b: {  	_ = 	snop  }
0x3c: {  	p2 =	seq.s32 s10, $0x1;
	s10 =	sld [smem:$0x3F9A]  }
0x3d: {  	_ =	shalt  }
0x3e: {  	_ =	shalt  }
0x3f: {  	_ =	shalt  }
0x40: {  	_ =	shalt  }
0x41: {  	_ =	shalt  }
0x42: {  	_ =	shalt  }
0x43: {  	_ =	shalt  }
0x44: {  	_ =	shalt  }
0x45: {  	_ =	shalt  }
0x46: {  	_ =	shalt  }
0x47: {  	_ =	shalt  }
0x48: {  	_ =	shalt  }
0x49: {  	_ =	shalt  }
0x4a: {  	_ =	shalt  }
0x4b: {  	_ =	shalt  }
0x4c: {  	_ =	shalt  }
0x4d: {  	_ =	shalt  }
0x4e: {  	_ =	shalt  }
0x4f: {  	_ =	shalt  }
0x50: {  	_ =	shalt  }
0x51: {  	_ =	shalt  }
0x52: {  	_ =	shalt  }
0x53: {  	_ =	shalt  }
0x54: {  	_ =	shalt  }
0x55: {  	_ =	shalt  }
0x56: {  	_ =	shalt  }
0x57: {  	_ =	shalt  }
0x58: {  	_ =	shalt  }
0x59: {  	_ =	shalt  }
0x5a: {  	_ =	shalt  }
0x5b: {  	_ =	shalt  }
0x5c: {  	_ =	shalt  }
0x5d: {  	_ =	shalt  }
0x5e: {  	_ =	shalt  }
0x5f: {  	_ =	shalt  }
0x60: {  	_ =	shalt  }
0x61: {  	_ =	shalt  }
0x62: {  	_ =	shalt  }
0x63: {  	_ =	shalt  }
0x64: {  	_ =	shalt  }
0x65: {  	_ =	shalt  }
0x66: {  	_ =	shalt  }
0x67: {  	_ =	shalt  }
0x68: {  	_ =	shalt  }
0x69: {  	_ =	shalt  }
0x6a: {  	_ =	shalt  }
0x6b: {  	_ =	shalt  }
0x6c: {  	_ =	shalt  }
0x6d: {  	_ =	shalt  }
0x6e: {  	_ =	shalt  }
0x6f: {  	_ =	shalt  }
0x70: {  	_ =	shalt  }
0x71: {  	_ =	shalt  }
0x72: {  	_ =	shalt  }
0x73: {  	_ =	shalt  }
0x74: {  	_ =	shalt  }
0x75: {  	_ =	shalt  }
0x76: {  	_ =	shalt  }
0x77: {  	_ =	shalt  }
0x78: {  	_ =	shalt  }
0x79: {  	_ =	shalt  }
0x7a: {  	_ =	shalt  }
0x7b: {  	_ =	shalt  }
0x7c: {  	_ =	shalt  }
0x7d: {  	_ =	shalt  }
0x7e: {  	_ =	shalt  }
0x7f: {  	_ =	shalt  }
0x80: {  	_ =	shalt  }
0x81: {  	_ =	shalt  }
0x82: {  	_ =	shalt  }
0x83: {  	_ =	shalt  }
0x84: {  	_ =	shalt  }
0x85: {  	_ =	shalt  }
0x86: {  	_ =	shalt  }
0x87: {  	_ =	shalt  }
.Lfunc_end0:
.L_simem_size_0:
called_computation_lowered:
.L_overlay_start_0:
0x88: {  	s2 =	sld [smem:$0x3FD9]  }
0x89: {  	s3 =	sld [smem:$0x3FFE];
	_ =	sdelay $0x1  }
0x8a: {  	s1 =	srdreg.scid  }
0x8b: {  	s0 =	sand.u32 $0x1, s1  }
0x8c: {  	s17 =	sshll.u32 s0, $0xA;
	s2 =	sadd.s32 s3, s2  }
0x8d: {  	s2 =	sadd.s32 s2, s17  }
0x8e: {  	[smem:$0x3FA6] =	sst s2  }
0x8f: {  	_ = 	snop  }
0x90: {  	s2 =	sld [smem:$0x3FC7]  }
0x91: {  	s18 =	sld [smem:$0x3FC1];
	(tm) =	ssettm $0x1  }
0x92: {  	s4 =	sld [smem:$0x3FFB];
	_ =	sdelay $0x3  }
0x93: {  	_ =	strace s4  }
0x94: {  	s4 =	sld [smem:$0x3FFC];
	_ =	sdelay $0x3  }
0x95: {  	_ =	strace s4  }
0x96: {  	s4 =	sld [smem:$0x3FFD];
	_ =	sdelay $0x3  }
0x97: {  	_ =	strace s4  }
0x98: {  	_ =	strace $0x8FFFFFFF  }
0x99: {  	s19 =	sld [smem:$0x3FDB];
	_ =	sdelay $0x1  }
0x9a: {  	s5 =	simm.s32 $_scs_section_size  }
0x9b: {  	s6 =	simm.s32 $_size__tile_overlayer_lowered;
	s7 =	simm.s32 $_tile_overlayer_lowered  }
0x9c: {  	s22 =	simm.s32 $0x1BFF;
	s21 =	sshll.u32 s7, $0x1;
	s4 =	sadd.s32 s5, s19  }
0x9d: {  	s8 =	simm.s32 $0x0;
	s20 =	sshll.u32 s6, $0x1;
	s6 =	sadd.s32 s21, s4  }
0x9e: {  	[timem:s8], [sflag:s22] =	dma.local [hbm:s6], s20  }
0x9f: {  	_ =	swait.ge [sflag:s22], s20  }
0xa0: {  	s5 =	ssub.s32 $0x0, s20;
	[sflag:s22] =	ssyncset.done $0x0  }
0xa1: {  	[sflag:s22] =	ssyncadd.s32 s5;
	_ =	sdelay $0x1  }
0xa2: {  	s23 =	simm.s32 $0x1B8B  }
0xa3: {  	_ =	swait.ge [sflag:s23], $0x1  }
0xa4: {  	[sflag:s23] =	ssyncset.done $0x0  }
0xa5: {  	s25 =	simm.s32 $0x1B8E;
	s24 =	sld [smem:$0x3FFE];
	[sflag:s23] =	ssyncadd.s32 $0xFFFFFFFF  }
0xa6: {  	s26 =	simm.s32 $execute0_lowered;
	[smem:$0x3FD2] =	sst s25  }
0xa7: {  	s6 =	sshll.u32 s26, $0x1;
	_ =	strace $0x80000046;
	[dreg:$0x1] =	wrdreg $0xFFFFFFFF  }
0xa8: {  	s28 =	simm.s32 $_size_execute0_lowered;
	s4 =	sadd.s32 s4, s6;
	[dreg:$0x0] =	wrdreg $0x0  }
0xa9: {  	s6 =	sshll.u32 s28, $0x1;
	[dreg:$0x2] =	wrdreg s4  }
0xaa: {  	[dreg:$0x3] =	wrdreg s6  }
0xab: {  	[dreg:$0x4] =	wrdreg $0xC0  }
0xac: {  	_ =	task [dreg:s8], $0x5FFFF  }
0xad: {  	[dreg:$0x1] =	wrdreg $0xFFFFFFFF  }
0xae: {  	[dreg:$0x0] =	wrdreg $0x60  }
0xaf: {  	[dreg:$0x2] =	wrdreg s18  }
0xb0: {  	[dreg:$0x3] =	wrdreg s2  }
0xb1: {  	[dreg:$0x4] =	wrdreg s24  }
0xb2: {  	[dreg:$0x5] =	wrdreg $0x9  }
0xb3: {  	_ =	task.clear_ibuf [dreg:s8], $0x6FFFF;
	_ =	strace $0x90000046  }
0xb4: {  	s29 =	simm.s32 $0x9;
	_ =	strace $0x80000048  }
0xb5: {  	_ =	swait.ge [sflag:s29], $0x1  }
0xb6: {  	[sflag:s29] =	ssyncadd.s32 $0xFFFFFFFF  }
0xb7: {  	_ =	strace $0x90000048  }
0xb8: {  	_ =	sfence  }
0xb9: {  	s30 =	sld [smem:$0x0];
	_ =	sdelay $0x2  }
0xba: {  	s31 =	sshll.u32 s1, $0xD;
	s1 =	sshrl.u32 s1, $0x2  }
0xbb: {  	s3 =	sand.u32 $0x4000, s31;
	s1 =	sadd.s32 s1, s30  }
0xbc: {  	s0 =	sor.u32 s3, s0;
	s1 =	sshll.u32 s1, $0x11  }
0xbd: {  	s0 =	sor.u32 s1, s0  }
0xbe: {  	s0 =	sadd.s32 $0x8F2B, s0  }
0xbf: {  	[sflag:s0] =	ssyncadd.remote.s32 $0x1  }
0xc0: {  	_ =	sfence.sel $0xFFFF  }
0xc1: {  	[dreg:$0x0] =	wrdreg $0xFFFFFFFF;
	(pc) =	sbr.abs _section_cstart, $3  }
0xc2: {  	[dreg:$0x1] =	wrdreg $0xFFFFFFFF  }
0xc3: {  	_ =	task.clear_ibuf [dreg:s8], $0x2FFFF;
	_ =	strace $0x9FFFFFFF  }
0xc4: {  	(tm) =	ssettm $0x7FFFFFFF  }
0xc5: {  	_ =	shalt  }
tec
execute0_lowered:
.L_overlay_start_1:
0x0: {  	(tag) =	ssettag $0x1  }
0x1: {  	s1 =	rddreg [dreg:$0x0]  }
0x2: {  	s4 =	rddreg [dreg:$0x1]  }
0x3: {  	s5 =	rddreg [dreg:$0x2]  }
0x4: {  	s0 =	rddreg [dreg:$0x3];
	s6 =	srdreg.scid  }
0x5: {  	s2 =	stileid.u32;
	s3 =	simm.s32 $0x0;
	s9 =	simm.s32 $0x7A1400  }
0x6: {  	s10 =	simm.s32 $0x100;
	s11 =	simm.s32 $0x2100;
	s12 =	simm.s32 $0x4100  }
0x7: {  	s13 =	simm.s32 $0x6100;
	s14 =	simm.s32 $0x8100;
	s15 =	simm.s32 $0xA100  }
0x8: {  	s16 =	simm.s32 $0xC100;
	s17 =	simm.s32 $0xE100;
	s18 =	simm.s32 $0x10100  }
0x9: {  	s19 =	simm.s32 $0x12100;
	s20 =	simm.s32 $0x14100;
	s21 =	simm.s32 $0x1  }
0xa: {  	s22 =	simm.s32 $0x18100;
	s6 =	sand.u32 $0x1, s6;
	s7 =	sshll.u32 s2, $0x1  }
0xb: {  	s23 =	simm.s32 $0x0;
	[smem:$0x7FF] =	sst s3;
	s7 =	sor.u32 s6, s7  }
0xc: {  	v0 =	vlaneseq.u32;
	_ =	strace $0x80000047;
	s6 =	ssub.s32 $0x2, s6;
	s8 =	sshll.u32 s7, $0xA  }
0xd: {  	v0 =	vmul.u32 $0x80, v0;
	s31 =	sshrl.u32 s6, $0x1;
	s7 =	sshll.u32 s7, $0x4;
	s5 =	sadd.s32 s8, s5  }
0xe: {  	s6 =	ssub.s32 s6, s31;
	s4 =	sadd.s32 s4, s7;
	s7 =	simm.s32 $0x2  }
0xf: {  	v1 =	vor.u32 $0x800, v0;
	v2 =	vor.u32 $0x1000, v0;
	v3 =	vor.u32 $0x1800, v0;
	s8 =	simm.s32 $0x400;
	s5 =	sadd.s32 $0x3C00, s5;
	s6 =	smax.u32 s6, $0x1  }
.LBB2_1:
0x10: {  	[tilespmem:s3], [sflag:$0x2] =	stream.linear.gather [hbm4b:s4+s3], $0x80, $0x38;
	[tilespmem:$0x1A100] =	vst v63  }
0x11: {  	_ =	swait.ge [sflag:s7], $0x80  }
0x12: {  	[sflag:s7] =	ssyncset.done $0x0  }
0x13: {  	[sflag:s7] =	ssyncadd.s32 $0xFFFFFF80  }
0x14: {  	v4 =	vld [tilespmem:$0x0];
	_ =	sdelay $0x4  }
0x15: {  	(v2sf) =	vpush v4, $0x0;
	_ =	sdelay $0xe  }
0x16: {  	s24 =	spop (v2sf)  }
0x17: {  	s24 =	sand.u32 $0xFFFFF80, s24  }
0x18: {  	s24 =	sadd.s32 s1, s24  }
0x19: {  	[tilespmem:s10], [sflag:$0x1] =	stream.strided.gather [hbm4b:s24+s8], $0x2000, s9, s8, $0x38;
	[tilespmem:$0x1A100] =	vst v63  }
0x1a: {  	v4 =	vld [tilespmem:$0x1];
	_ =	sdelay $0x4  }
0x1b: {  	(v2sf) =	vpush v4, $0x0;
	_ =	sdelay $0xe  }
0x1c: {  	s25 =	spop (v2sf)  }
0x1d: {  	s24 =	sand.u32 $0xFFFFF80, s25  }
0x1e: {  	s24 =	sadd.s32 s1, s24  }
0x1f: {  	[tilespmem:s11], [sflag:$0x1] =	stream.strided.gather [hbm4b:s24+s8], $0x2000, s9, s8, $0x38;
	[tilespmem:$0x1A100] =	vst v63  }
0x20: {  	v4 =	vld [tilespmem:$0x2];
	_ =	sdelay $0x4  }
0x21: {  	(v2sf) =	vpush v4, $0x0;
	_ =	sdelay $0xe  }
0x22: {  	s26 =	spop (v2sf)  }
0x23: {  	s24 =	sand.u32 $0xFFFFF80, s26  }
0x24: {  	s24 =	sadd.s32 s1, s24  }
0x25: {  	[tilespmem:s12], [sflag:$0x1] =	stream.strided.gather [hbm4b:s24+s8], $0x2000, s9, s8, $0x38;
	[tilespmem:$0x1A100] =	vst v63  }
0x26: {  	v4 =	vld [tilespmem:$0x3];
	_ =	sdelay $0x4  }
0x27: {  	(v2sf) =	vpush v4, $0x0;
	_ =	sdelay $0xe  }
0x28: {  	s25 =	spop (v2sf)  }
0x29: {  	s24 =	sand.u32 $0xFFFFF80, s25  }
0x2a: {  	s24 =	sadd.s32 s1, s24  }
0x2b: {  	[tilespmem:s13], [sflag:$0x1] =	stream.strided.gather [hbm4b:s24+s8], $0x2000, s9, s8, $0x38;
	[tilespmem:$0x1A100] =	vst v63  }
0x2c: {  	v4 =	vld [tilespmem:$0x4];
	_ =	sdelay $0x4  }
0x2d: {  	(v2sf) =	vpush v4, $0x0;
	_ =	sdelay $0xe  }
0x2e: {  	s26 =	spop (v2sf)  }
0x2f: {  	s24 =	sand.u32 $0xFFFFF80, s26  }
0x30: {  	s24 =	sadd.s32 s1, s24  }
0x31: {  	[tilespmem:s14], [sflag:$0x1] =	stream.strided.gather [hbm4b:s24+s8], $0x2000, s9, s8, $0x38;
	[tilespmem:$0x1A100] =	vst v63  }
0x32: {  	v4 =	vld [tilespmem:$0x5];
	_ =	sdelay $0x4  }
0x33: {  	(v2sf) =	vpush v4, $0x0;
	_ =	sdelay $0xe  }
0x34: {  	s25 =	spop (v2sf)  }
0x35: {  	s24 =	sand.u32 $0xFFFFF80, s25  }
0x36: {  	s24 =	sadd.s32 s1, s24  }
0x37: {  	[tilespmem:s15], [sflag:$0x1] =	stream.strided.gather [hbm4b:s24+s8], $0x2000, s9, s8, $0x38;
	[tilespmem:$0x1A100] =	vst v63  }
0x38: {  	v4 =	vld [tilespmem:$0x6];
	_ =	sdelay $0x4  }
0x39: {  	(v2sf) =	vpush v4, $0x0;
	_ =	sdelay $0xe  }
0x3a: {  	s26 =	spop (v2sf)  }
0x3b: {  	s24 =	sand.u32 $0xFFFFF80, s26  }
0x3c: {  	s24 =	sadd.s32 s1, s24  }
0x3d: {  	[tilespmem:s16], [sflag:$0x1] =	stream.strided.gather [hbm4b:s24+s8], $0x2000, s9, s8, $0x38;
	[tilespmem:$0x1A100] =	vst v63  }
0x3e: {  	v4 =	vld [tilespmem:$0x7];
	_ =	sdelay $0x4  }
0x3f: {  	(v2sf) =	vpush v4, $0x0;
	_ =	sdelay $0xe  }
0x40: {  	s25 =	spop (v2sf)  }
0x41: {  	s24 =	sand.u32 $0xFFFFF80, s25  }
0x42: {  	s24 =	sadd.s32 s1, s24  }
0x43: {  	[tilespmem:s17], [sflag:$0x1] =	stream.strided.gather [hbm4b:s24+s8], $0x2000, s9, s8, $0x38;
	[tilespmem:$0x1A100] =	vst v63  }
0x44: {  	v4 =	vld [tilespmem:$0x8];
	_ =	sdelay $0x4  }
0x45: {  	(v2sf) =	vpush v4, $0x0;
	_ =	sdelay $0xe  }
0x46: {  	s26 =	spop (v2sf)  }
0x47: {  	s24 =	sand.u32 $0xFFFFF80, s26  }
0x48: {  	s24 =	sadd.s32 s1, s24  }
0x49: {  	[tilespmem:s18], [sflag:$0x1] =	stream.strided.gather [hbm4b:s24+s8], $0x2000, s9, s8, $0x38;
	[tilespmem:$0x1A100] =	vst v63  }
0x4a: {  	v4 =	vld [tilespmem:$0x9];
	_ =	sdelay $0x4  }
0x4b: {  	(v2sf) =	vpush v4, $0x0;
	_ =	sdelay $0xe  }
0x4c: {  	s25 =	spop (v2sf)  }
0x4d: {  	s24 =	sand.u32 $0xFFFFF80, s25  }
0x4e: {  	s24 =	sadd.s32 s1, s24  }
0x4f: {  	[tilespmem:s19], [sflag:$0x1] =	stream.strided.gather [hbm4b:s24+s8], $0x2000, s9, s8, $0x38;
	[tilespmem:$0x1A100] =	vst v63  }
0x50: {  	v4 =	vld [tilespmem:$0xA];
	_ =	sdelay $0x4  }
0x51: {  	(v2sf) =	vpush v4, $0x0;
	_ =	sdelay $0xe  }
0x52: {  	s26 =	spop (v2sf)  }
0x53: {  	s24 =	sand.u32 $0xFFFFF80, s26  }
0x54: {  	s24 =	sadd.s32 s1, s24  }
0x55: {  	[tilespmem:s20], [sflag:$0x1] =	stream.strided.gather [hbm4b:s24+s8], $0x2000, s9, s8, $0x38;
	[tilespmem:$0x1A100] =	vst v63  }
0x56: {  	_ =	swait.ge [sflag:s21], $0x2000  }
0x57: {  	[sflag:s21] =	ssyncset.done $0x0  }
0x58: {  	[sflag:s21] =	ssyncadd.s32 $0xFFFFE000  }
0x59: {  	v4 =	vld [tilespmem:s3+$0x0];
	_ =	sdelay $0x4  }
0x5a: {  	(v2sf) =	vpush v4, $0x0;
	_ =	sdelay $0x7  }
0x5b: {  	s25 =	smul.u32 $0xAB, s3;
	_ =	sdelay $0x1  }
0x5c: {  	s24 =	sshrl.u32 s25, $0xB  }
0x5d: {  	s24 =	sand.u32 $0x1F, s24  }
0x5e: {  	s24 =	smul.u32 $0xC, s24;
	_ =	sdelay $0x1  }
0x5f: {  	s24 =	ssub.s32 $0x0, s24  }
0x60: {  	s24 =	sand.u32 $0xFF, s24;
	s25 =	spop (v2sf)  }
0x61: {  	s24 =	sshll.u32 s24, $0xD;
	s25 =	sand.u32 $0x7F, s25  }
0x62: {  	s24 =	sor.u32 s24, s25  }
0x63: {  	v4 =	vor.u32 s24, v0;
	_ =	sdelay $0x4  }
0x64: {  	v4 =	vld.idx.msk [tilespmem:v4+s10+$0x0], $0xffff  }
0x65: {  	v5 =	vor.u32 s24, v1;
	_ =	sdelay $0x2  }
0x66: {  	s26 =	simm.s32 $0x18120  }
0x67: {  	[tilespmem:s26+$0xFFFFFFE0] =	vst v4  }
0x68: {  	v4 =	vld.idx.msk [tilespmem:v5+s10+$0x0], $0xffff  }
0x69: {  	v5 =	vor.u32 s24, v2;
	_ =	sdelay $0x3  }
0x6a: {  	[tilespmem:s26+$0xFFFFFFF0] =	vst v4  }
0x6b: {  	v4 =	vld.idx.msk [tilespmem:v5+s10+$0x0], $0xffff  }
0x6c: {  	v5 =	vor.u32 s24, v3;
	_ =	sdelay $0x3  }
0x6d: {  	[tilespmem:s26+$0x0] =	vst v4  }
0x6e: {  	v4 =	vld.idx.msk [tilespmem:v5+s10+$0x0], $0xffff;
	_ =	sdelay $0x4  }
0x6f: {  	p1 =	por $0x0, $0x0;
	[tilespmem:s26+$0x10] =	vst v4  }
0x70: {  	v4 =	vld @!p1 [tilespmem:s3+$0xB];
	_ =	sdelay $0x4  }
0x71: {  	(v2sf) =	vpush @!p1 v4, $0x0;
	_ =	sdelay $0x5  }
0x72: {  	s24 =	simm.s32 @!p1 $0xB  }
0x73: {  	s24 =	smul.u32 @!p1 $0xAB, s24;
	_ =	sdelay $0x1  }
0x74: {  	s24 =	sshrl.u32 @!p1 s24, $0xB  }
0x75: {  	s24 =	sand.u32 @!p1 $0x1F, s24  }
0x76: {  	s24 =	smul.u32 @!p1 $0xC, s24;
	_ =	sdelay $0x1  }
0x77: {  	s24 =	ssub.s32 @!p1 $0xB, s24  }
0x78: {  	s30 =	simm.s32 @!p1 $0x400;
	s25 =	sand.u32 @!p1 $0xFF, s24  }
0x79: {  	s31 =	simm.s32 @!p1 $0x7A1400;
	s25 =	sshll.u32 @!p1 s25, $0xD;
	s26 =	spop @!p1 (v2sf)  }
0x7a: {  	s24 =	simm.s32 $0x1;
	s28 =	sor.u32 @!p1 $0x100, s25;
	s26 =	sand.u32 @!p1 $0xFFFFF80, s26  }
0x7b: {  	s25 =	simm.s32 $0x18160;
	s29 =	sadd.s32 @!p1 s1, s26;
	s26 =	simm.s32 $0x1  }
.LBB2_2:
0x7c: {  	[tilespmem:s28], [sflag:$0x1] =	stream.strided.gather @!p1 [hbm4b:s29+s30], $0x2000, s31, s30, $0x38;
	[tilespmem:$0x1A100] =	vst v63  }
0x7d: {  	s28 =	smov.u32 s24;
	s24 =	sadd.s32 $0x1, s24;
	_ =	swait.ge [sflag:s21], $0x2000  }
0x7e: {  	p0 =	sne.s32 s24, $0x80;
	[sflag:s21] =	ssyncset.done $0x0  }
0x7f: {  	[sflag:s21] =	ssyncadd.s32 $0xFFFFE000  }
0x80: {  	v4 =	vld [tilespmem:s26+$0x0];
	_ =	sdelay $0x4  }
0x81: {  	(v2sf) =	vpush v4, $0x0;
	_ =	sdelay $0x7  }
0x82: {  	s29 =	smul.u32 $0xAB, s28;
	_ =	sdelay $0x1  }
0x83: {  	s29 =	sshrl.u32 s29, $0xB  }
0x84: {  	s29 =	sand.u32 $0x1F, s29  }
0x85: {  	s29 =	smul.u32 $0xC, s29;
	_ =	sdelay $0x1  }
0x86: {  	s29 =	ssub.s32 s28, s29  }
0x87: {  	s29 =	sand.u32 $0xFF, s29;
	s30 =	spop (v2sf)  }
0x88: {  	s29 =	sshll.u32 s29, $0xD;
	s30 =	sand.u32 $0x7F, s30  }
0x89: {  	s29 =	sor.u32 s29, s30  }
0x8a: {  	v4 =	vor.u32 s29, v0;
	_ =	sdelay $0x4  }
0x8b: {  	v4 =	vld.idx.msk [tilespmem:v4+s10+$0x0], $0xffff;
	_ =	sdelay $0x1  }
0x8c: {  	v5 =	vor.u32 s29, v1;
	_ =	sdelay $0x3  }
0x8d: {  	[tilespmem:s25+$0xFFFFFFE0] =	vst v4  }
0x8e: {  	v4 =	vld.idx.msk [tilespmem:v5+s10+$0x0], $0xffff;
	_ =	sdelay $0x1  }
0x8f: {  	v5 =	vor.u32 s29, v2;
	_ =	sdelay $0x3  }
0x90: {  	[tilespmem:s25+$0xFFFFFFF0] =	vst v4  }
0x91: {  	v4 =	vld.idx.msk [tilespmem:v5+s10+$0x0], $0xffff;
	_ =	sdelay $0x1  }
0x92: {  	v5 =	vor.u32 s29, v3;
	_ =	sdelay $0x3  }
0x93: {  	[tilespmem:s25+$0x0] =	vst v4  }
0x94: {  	v4 =	vld.idx.msk [tilespmem:v5+s10+$0x0], $0xffff;
	_ =	sdelay $0x5  }
0x95: {  	p1 =	sgt.u32 s28, $0x74;
	[tilespmem:s25+$0x10] =	vst v4  }
0x96: {  	s28 =	sadd.s32 @!p1 $0xB, s28;
	v4 =	vld @!p1 [tilespmem:s26+$0xB]  }
0x97: {  	s29 =	smul.u32 @!p1 $0xAB, s28;
	_ =	sdelay $0x1  }
0x98: {  	s29 =	sshrl.u32 @!p1 s29, $0xB  }
0x99: {  	s29 =	sand.u32 @!p1 $0x1F, s29  }
0x9a: {  	s29 =	smul.u32 @!p1 $0xC, s29;
	(v2sf) =	vpush @!p1 v4, $0x0;
	_ =	sdelay $0x1  }
0x9b: {  	s28 =	ssub.s32 @!p1 s28, s29  }
0x9c: {  	s28 =	sand.u32 @!p1 $0xFF, s28  }
0x9d: {  	s28 =	sshll.u32 @!p1 s28, $0xD  }
0x9e: {  	s28 =	sor.u32 @!p1 $0x100, s28;
	_ =	sdelay $0x7  }
.Ltmp0:
0x9f: {  	(pc) =	sbr.rel @p0 .LBB2_2-.Ltmp0, $4  }
0xa0: {  	_ = 	snop  }
0xa1: {  	s29 =	spop @!p1 (v2sf)  }
0xa2: {  	s25 =	sadd.s32 $0x40, s25;
	s26 =	sadd.s32 $0x1, s26;
	s29 =	sand.u32 @!p1 $0xFFFFF80, s29  }
0xa3: {  	s31 =	simm.s32 @!p1 $0x7A1400;
	s30 =	simm.s32 @!p1 $0x400;
	s29 =	sadd.s32 @!p1 s1, s29  }
0xa4: {  	[tilespmem:s28], [sflag:$0x1] =	stream.strided.gather @!p1 [hbm4b:s29+s30], $0x2000, s31, s30, $0x38;
	[tilespmem:$0x1A100] =	vst v63  }
0xa5: {  	s23 =	sadd.s32 $0x1, s23  }
0xa6: {  	p0 =	sne.s32 s23, s6  }
.Ltmp1:
0xa7: {  	_ = 	snop;
	(pc) =	sbr.rel @p0 .LBB2_1-.Ltmp1, $4  }
0xa8: {  	[hbm4b:s5+s3] =	stream.linear.scatter [tilespmem:s22], [sflag:$0x2], $0x2000, $0x38;
	[tilespmem:$0x1A100] =	vst v63  }
0xa9: {  	_ =	swait.ge [sflag:s7], $0x2000  }
0xaa: {  	[sflag:s7] =	ssyncset.done $0x0  }
0xab: {  	[sflag:s7] =	ssyncadd.s32 $0xFFFFE000  }
0xac: {  	_ =	sfence.sel $0x180000  }
0xad: {  	[bflag:$0x0] =	sbarrier.arrive $0xFFFF  }
0xae: {  	p0 =	sne.s32 s2, $0x0;
	_ =	strace $0x90000047  }
0xaf: {  	s0 =	sadd.s32 @!p0 $0x100000, s0;
	[bflag:$0x2] =	sbarrier.arrive $0xFFFF  }
0xb0: {  	[sflag:s0] =	ssyncadd.tile.s32 @!p0 $0x1;
	_ =	shalt  }
.Lfunc_end2:
_tile_overlayer_lowered:
.L_overlay_start_2:
0xb1: {  	(tag) =	ssettag $0x2  }
0xb2: {  	s0 =	rddreg [dreg:$0x0];
	s2 =	stileid.u32  }
0xb3: {  	s1 =	rddreg [dreg:$0x1];
	p0 =	sne.s32 s2, $0x0  }
0xb4: {  	s3 =	rddreg [dreg:$0x2];
	[bflag:$0x3] =	sbarrier.arrive $0xFFFF;
	s2 =	simm.s32 @!p0 $0x1C02  }
0xb5: {  	[timem:s3], [sflag:s2] =	dma.local @!p0 [hbm:s0], s1  }
0xb6: {  	s0 =	simm.s32 @!p0 $0x2  }
0xb7: {  	_ =	swait.ge @!p0 [sflag:s0], s1  }
0xb8: {  	s1 =	ssub.s32 @!p0 $0x0, s1;
	[sflag:s0] =	ssyncset.done @!p0 $0x0  }
0xb9: {  	[sflag:s0] =	ssyncadd.s32 @!p0 s1  }
0xba: {  	[bflag:$0x3] =	sbarrier.arrive $0xFFFF  }
0xbb: {  	_ =	shalt  }

// kernel: kernel.9.cloned.1.call-start
scs
__scs_entry_jumppad:
0x0: {  	(pc) =	sbr.rel $0x88, $3  }
0x1: {  	(tag) =	ssettag $0x0;
	lr =	simm.s32 $0x1  }
0x2: {  	[smem:$0x3F7F] =	sst lr;
	_ =	strace $0xD0000000  }
0x3: {  	_ = 	snop  }
0x4: {  	_ = 	snop  }
0x5: {  	_ = 	snop  }
0x6: {  	_ = 	snop  }
0x7: {  	_ = 	snop  }
__scs_overlays_trampoline_lowered:
0x8: {  	[smem:$0x3F8E] =	sst s0  }
0x9: {  	[smem:$0x3F8F] =	sst s1  }
0xa: {  	[smem:$0x3F90] =	sst s2  }
0xb: {  	[smem:$0x3F91] =	sst s3  }
0xc: {  	[smem:$0x3F92] =	sst s4  }
0xd: {  	[smem:$0x3F93] =	sst s5  }
0xe: {  	[smem:$0x3F94] =	sst s6  }
0xf: {  	[smem:$0x3F95] =	sst s7  }
0x10: {  	[smem:$0x3F96] =	sst s8  }
0x11: {  	[smem:$0x3F97] =	sst s9;
	s0 =	simm.s32 @!p0 $0x0  }
0x12: {  	s1 =	sld [smem:$0x3F7D];
	s0 =	simm.s32 @p0 $0x1  }
0x13: {  	[smem:$0x3F98] =	sst s0;
	s0 =	simm.s32 @!p1 $0x0  }
0x14: {  	s2 =	sld [smem:$0x3F7C];
	s0 =	simm.s32 @p1 $0x1  }
0x15: {  	[smem:$0x3F99] =	sst s0;
	s0 =	simm.s32 @!p2 $0x0  }
0x16: {  	s3 =	sld [smem:$0x3FDB];
	s0 =	simm.s32 @p2 $0x1  }
0x17: {  	s4 =	simm.s32 $0x1BF5;
	[smem:$0x3F9B] =	sst s0  }
0x18: {  	s0 =	sld [smem:$0x3F7E];
	_ =	swait.ge [sflag:s4], $0x0  }
0x19: {  	s7 =	sld [smem:$0x3F7F]  }
0x1a: {  	s8 =	sadd.s32 $0xFFFFE003, lr  }
0x1b: {  	s9 =	sadd.s32 $0xFFFFFEF7, lr;
	s5 =	simm.s32 $0xFFFFFFFF;
	p2 =	slt.u32 s8, $0xFFFFF086  }
0x1c: {  	p1 =	slt.u32 s9, $0xF7A;
	s5 =	simm.s32 @!p2 $0x0  }
0x1d: {  	s5 =	simm.s32 @p1 $0x1;
	p0 =	seq.s32 s7, s2  }
0x1e: {  	s7 =	smul.u32 @!p0 $0xF7A, s2;
	p2 =	seq.s32 @!p0 s5, $0x0  }
0x1f: {  	s9 =	smul.u32 $0xF7A, s1;
	s8 =	simm.s32 @!p0 $0x1BF5;
	p2 =	por !p2, p0  }
0x20: {  	[sflag:s8] =	ssyncset.s32 @!p0 $0xFFFFF086;
	s6 =	sadd.s32 @!p0 s3, s7;
	s7 =	simm.s32 @!p0 $0x108  }
0x21: {  	s3 =	sadd.s32 s3, s9;
	s6 =	sadd.s32 @!p0 $0x88, s6;
	s7 =	simm.s32 @p2 $0x1082  }
0x22: {  	[simem:s7], [sflag:s8] =	dma.local @!p0 [hbm:s6], $0xF7A  }
0x23: {  	s9 =	sor.u32 $0xD0000000, s2;
	s6 =	simm.s32 $0x108;
	_ =	swait.ge @!p0 [sflag:s8], $0x0  }
0x24: {  	s3 =	sadd.s32 $0x88, s3;
	s6 =	simm.s32 @!p1 $0x1082;
	[sflag:s4] =	ssyncset.s32 $0xFFFFF086  }
0x25: {  	[simem:s6], [sflag:s4] =	dma.local [hbm:s3], $0xF7A  }
0x26: {  	[smem:$0x3F7F] =	sst s1;
	(tag) =	ssettag s2;
	_ =	strace s9  }
0x27: {  	s1 =	sld [smem:$0x3F8F]  }
0x28: {  	s2 =	sld [smem:$0x3F90]  }
0x29: {  	s4 =	sld [smem:$0x3F92]  }
0x2a: {  	p0 =	seq.s32 s5, $0x0;
	s5 =	sld [smem:$0x3F93]  }
0x2b: {  	s6 =	sld [smem:$0x3F94]  }
0x2c: {  	s7 =	sld [smem:$0x3F95]  }
0x2d: {  	s3 =	simm.s32 $0x108;
	s8 =	sld [smem:$0x3F96]  }
0x2e: {  	s3 =	simm.s32 @!p0 $0x1082;
	s9 =	sld [smem:$0x3F97]  }
0x2f: {  	lr =	sadd.s32 s0, s3;
	s0 =	sld [smem:$0x3F8E]  }
0x30: {  	s3 =	sld [smem:$0x3F91]  }
0x31: {  	[smem:$0x3F9A] =	sst s10  }
0x32: {  	s10 =	sld [smem:$0x3F98];
	_ =	sdelay $0x3  }
0x33: {  	p0 =	seq.s32 s10, $0x1;
	s10 =	sld [smem:$0x3F9A];
	_ =	sdelay $0x3  }
0x34: {  	[smem:$0x3F9A] =	sst s10  }
0x35: {  	s10 =	sld [smem:$0x3F99];
	_ =	sdelay $0x3  }
0x36: {  	p1 =	seq.s32 s10, $0x1;
	s10 =	sld [smem:$0x3F9A];
	_ =	sdelay $0x3  }
0x37: {  	[smem:$0x3F9A] =	sst s10  }
0x38: {  	s10 =	sld [smem:$0x3F9B]  }
0x39: {  	_ = 	snop;
	(pc) =	sbr.ind lr, $3  }
0x3a: {  	_ = 	snop  }
0x3b: {  	_ = 	snop  }
0x3c: {  	p2 =	seq.s32 s10, $0x1;
	s10 =	sld [smem:$0x3F9A]  }
0x3d: {  	_ =	shalt  }
0x3e: {  	_ =	shalt  }
0x3f: {  	_ =	shalt  }
0x40: {  	_ =	shalt  }
0x41: {  	_ =	shalt  }
0x42: {  	_ =	shalt  }
0x43: {  	_ =	shalt  }
0x44: {  	_ =	shalt  }
0x45: {  	_ =	shalt  }
0x46: {  	_ =	shalt  }
0x47: {  	_ =	shalt  }
0x48: {  	_ =	shalt  }
0x49: {  	_ =	shalt  }
0x4a: {  	_ =	shalt  }
0x4b: {  	_ =	shalt  }
0x4c: {  	_ =	shalt  }
0x4d: {  	_ =	shalt  }
0x4e: {  	_ =	shalt  }
0x4f: {  	_ =	shalt  }
0x50: {  	_ =	shalt  }
0x51: {  	_ =	shalt  }
0x52: {  	_ =	shalt  }
0x53: {  	_ =	shalt  }
0x54: {  	_ =	shalt  }
0x55: {  	_ =	shalt  }
0x56: {  	_ =	shalt  }
0x57: {  	_ =	shalt  }
0x58: {  	_ =	shalt  }
0x59: {  	_ =	shalt  }
0x5a: {  	_ =	shalt  }
0x5b: {  	_ =	shalt  }
0x5c: {  	_ =	shalt  }
0x5d: {  	_ =	shalt  }
0x5e: {  	_ =	shalt  }
0x5f: {  	_ =	shalt  }
0x60: {  	_ =	shalt  }
0x61: {  	_ =	shalt  }
0x62: {  	_ =	shalt  }
0x63: {  	_ =	shalt  }
0x64: {  	_ =	shalt  }
0x65: {  	_ =	shalt  }
0x66: {  	_ =	shalt  }
0x67: {  	_ =	shalt  }
0x68: {  	_ =	shalt  }
0x69: {  	_ =	shalt  }
0x6a: {  	_ =	shalt  }
0x6b: {  	_ =	shalt  }
0x6c: {  	_ =	shalt  }
0x6d: {  	_ =	shalt  }
0x6e: {  	_ =	shalt  }
0x6f: {  	_ =	shalt  }
0x70: {  	_ =	shalt  }
0x71: {  	_ =	shalt  }
0x72: {  	_ =	shalt  }
0x73: {  	_ =	shalt  }
0x74: {  	_ =	shalt  }
0x75: {  	_ =	shalt  }
0x76: {  	_ =	shalt  }
0x77: {  	_ =	shalt  }
0x78: {  	_ =	shalt  }
0x79: {  	_ =	shalt  }
0x7a: {  	_ =	shalt  }
0x7b: {  	_ =	shalt  }
0x7c: {  	_ =	shalt  }
0x7d: {  	_ =	shalt  }
0x7e: {  	_ =	shalt  }
0x7f: {  	_ =	shalt  }
0x80: {  	_ =	shalt  }
0x81: {  	_ =	shalt  }
0x82: {  	_ =	shalt  }
0x83: {  	_ =	shalt  }
0x84: {  	_ =	shalt  }
0x85: {  	_ =	shalt  }
0x86: {  	_ =	shalt  }
0x87: {  	_ =	shalt  }
.Lfunc_end0:
.L_simem_size_0:
called_computation.1_lowered:
.L_overlay_start_0:
0x88: {  	s2 =	sld [smem:$0x3FD9]  }
0x89: {  	s3 =	sld [smem:$0x3FFE];
	_ =	sdelay $0x1  }
0x8a: {  	s1 =	srdreg.scid  }
0x8b: {  	s0 =	sand.u32 $0x1, s1  }
0x8c: {  	s17 =	sshll.u32 s0, $0xA;
	s2 =	sadd.s32 s3, s2  }
0x8d: {  	s2 =	sadd.s32 s2, s17  }
0x8e: {  	[smem:$0x3FA6] =	sst s2  }
0x8f: {  	_ = 	snop  }
0x90: {  	s18 =	sld [smem:$0x3FC8]  }
0x91: {  	s4 =	sld [smem:$0x3FC6]  }
0x92: {  	s5 =	sld [smem:$0x3FC5]  }
0x93: {  	s6 =	sld [smem:$0x3FC4];
	(tm) =	ssettm $0x1  }
0x94: {  	s19 =	sld [smem:$0x3FFB];
	_ =	sdelay $0x3  }
0x95: {  	_ =	strace s19  }
0x96: {  	s2 =	sld [smem:$0x3FFC];
	_ =	sdelay $0x3  }
0x97: {  	_ =	strace s2  }
0x98: {  	s2 =	sld [smem:$0x3FFD];
	_ =	sdelay $0x3  }
0x99: {  	_ =	strace s2  }
0x9a: {  	_ =	strace $0x8FFFFFFF  }
0x9b: {  	s20 =	sld [smem:$0x3FDB];
	_ =	sdelay $0x1  }
0x9c: {  	s7 =	simm.s32 $_scs_section_size  }
0x9d: {  	s8 =	simm.s32 $_size__tile_overlayer_lowered;
	s9 =	simm.s32 $_tile_overlayer_lowered  }
0x9e: {  	s10 =	simm.s32 $0x1BFF;
	s21 =	sshll.u32 s9, $0x1;
	s7 =	sadd.s32 s7, s20  }
0x9f: {  	s22 =	simm.s32 $0x0;
	s8 =	sshll.u32 s8, $0x1;
	s9 =	sadd.s32 s21, s7  }
0xa0: {  	[timem:s22], [sflag:s10] =	dma.local [hbm:s9], s8  }
0xa1: {  	_ =	swait.ge [sflag:s10], s8  }
0xa2: {  	s8 =	ssub.s32 $0x0, s8;
	[sflag:s10] =	ssyncset.done $0x0  }
0xa3: {  	[sflag:s10] =	ssyncadd.s32 s8;
	_ =	sdelay $0x1  }
0xa4: {  	s23 =	simm.s32 $0x1B8B  }
0xa5: {  	_ =	swait.ge [sflag:s23], $0x1  }
0xa6: {  	[sflag:s23] =	ssyncset.done $0x0  }
0xa7: {  	[sflag:s23] =	ssyncadd.s32 $0xFFFFFFFF  }
0xa8: {  	s8 =	sld [smem:$0x0]  }
0xa9: {  	s9 =	sand.u32 $0xFFFFFFFE, s1  }
0xaa: {  	p0 =	sne.s32 s1, s9  }
0xab: {  	s9 =	sshll.u32 @p0 s9, $0xE  }
0xac: {  	s9 =	sadd.s32 @p0 $0x11B8D, s9;
	s10 =	sshll.u32 @p0 s8, $0x11  }
0xad: {  	s9 =	sor.u32 @p0 s10, s9  }
0xae: {  	[sflag:s9] =	ssyncadd.remote.s32 @p0 $0x1;
	_ =	sdelay $0x1  }
0xaf: {  	s9 =	simm.s32 @p0 $0x1B8D  }
0xb0: {  	_ =	swait.eq @p0 [sflag:s9], $0x1  }
0xb1: {  	[sflag:s9] =	ssyncadd.s32 @p0 $0xFFFFFFFF  }
0xb2: {  	s10 =	sshll.u32 @!p0 s1, $0xE  }
0xb3: {  	s10 =	sor.u32 @!p0 $0x4000, s10;
	s9 =	simm.s32 @!p0 $0x1B8D  }
0xb4: {  	s8 =	sshll.u32 @!p0 s8, $0x11;
	s10 =	sadd.s32 @!p0 $0x11B8D, s10;
	_ =	swait.eq @!p0 [sflag:s9], $0x1  }
0xb5: {  	s8 =	sor.u32 @!p0 s8, s10;
	[sflag:s9] =	ssyncadd.s32 @!p0 $0xFFFFFFFF  }
0xb6: {  	s25 =	simm.s32 $0x1B8E;
	s24 =	sld [smem:$0x3FFE];
	[sflag:s8] =	ssyncadd.remote.s32 @!p0 $0x1  }
0xb7: {  	s26 =	simm.s32 $execute0_lowered;
	[smem:$0x3FD2] =	sst s25  }
0xb8: {  	s9 =	sshll.u32 s26, $0x1;
	_ =	strace $0x80000049;
	[dreg:$0x1] =	wrdreg $0xFFFFFFFF  }
0xb9: {  	s28 =	simm.s32 $_size_execute0_lowered;
	s7 =	sadd.s32 s7, s9;
	[dreg:$0x0] =	wrdreg $0x0  }
0xba: {  	s9 =	sshll.u32 s28, $0x1;
	[dreg:$0x2] =	wrdreg s7  }
0xbb: {  	[dreg:$0x3] =	wrdreg s9  }
0xbc: {  	[dreg:$0x4] =	wrdreg $0xC0  }
0xbd: {  	_ =	task [dreg:s22], $0x5FFFF  }
0xbe: {  	[dreg:$0x1] =	wrdreg $0xFFFFFFFF  }
0xbf: {  	[dreg:$0x0] =	wrdreg $0x60  }
0xc0: {  	[dreg:$0x2] =	wrdreg s24  }
0xc1: {  	[dreg:$0x3] =	wrdreg s18  }
0xc2: {  	[dreg:$0x4] =	wrdreg s4  }
0xc3: {  	[dreg:$0x5] =	wrdreg s5  }
0xc4: {  	[dreg:$0x6] =	wrdreg s6  }
0xc5: {  	[dreg:$0x7] =	wrdreg $0xA  }
0xc6: {  	_ =	task.clear_ibuf [dreg:s22], $0x8FFFF;
	_ =	strace $0x90000049  }
0xc7: {  	s29 =	simm.s32 $0xA;
	_ =	strace $0x8000004B  }
0xc8: {  	_ =	swait.ge [sflag:s29], $0x1  }
0xc9: {  	[sflag:s29] =	ssyncadd.s32 $0xFFFFFFFF  }
0xca: {  	_ =	strace $0x9000004B  }
0xcb: {  	_ =	sfence  }
0xcc: {  	s30 =	sld [smem:$0x0];
	_ =	sdelay $0x2  }
0xcd: {  	s31 =	sshll.u32 s1, $0xD;
	s1 =	sshrl.u32 s1, $0x2  }
0xce: {  	s4 =	sand.u32 $0x4000, s31;
	s1 =	sadd.s32 s1, s30  }
0xcf: {  	s0 =	sor.u32 s4, s0;
	s1 =	sshll.u32 s1, $0x11  }
0xd0: {  	s0 =	sor.u32 s1, s0  }
0xd1: {  	s0 =	sadd.s32 $0x8F2B, s0  }
0xd2: {  	[sflag:s0] =	ssyncadd.remote.s32 $0x1  }
0xd3: {  	_ =	sfence.sel $0xFFFF  }
0xd4: {  	[dreg:$0x0] =	wrdreg $0xFFFFFFFF;
	(pc) =	sbr.abs _section_cstart, $3  }
0xd5: {  	[dreg:$0x1] =	wrdreg $0xFFFFFFFF  }
0xd6: {  	_ =	task.clear_ibuf [dreg:s22], $0x2FFFF;
	_ =	strace $0x9FFFFFFF  }
0xd7: {  	(tm) =	ssettm $0x7FFFFFFF  }
tec
execute0_lowered:
.L_overlay_start_1:
0x0: {  	(tag) =	ssettag $0x1  }
0x1: {  	s16 =	rddreg [dreg:$0x0]  }
0x2: {  	s3 =	rddreg [dreg:$0x1]  }
0x3: {  	s9 =	rddreg [dreg:$0x2];
	s1 =	srdreg.scid  }
0x4: {  	s12 =	rddreg [dreg:$0x3];
	s0 =	stileid.u32;
	s17 =	sand.u32 $0x1, s1  }
0x5: {  	s15 =	rddreg [dreg:$0x4];
	s4 =	sshll.u32 s0, $0x8;
	s5 =	sshll.u32 s17, $0x7  }
0x6: {  	s2 =	simm.s32 $0x0;
	s1 =	rddreg [dreg:$0x5];
	s8 =	sor.u32 s5, s4  }
0x7: {  	[smem:$0x7FF] =	sst s2;
	s18 =	sshrl.u32 s8, $0x3  }
0x8: {  	_ =	strace $0x8000004A;
	s4 =	sadd.s32 s3, s18;
	s3 =	simm.s32 $0x2  }
0x9: {  	[tilespmem:s2], [sflag:$0x2] =	stream.linear.gather [hbm4b:s4+s2], $0x80, $0x38;
	[tilespmem:$0x4080] =	vst v63  }
0xa: {  	_ =	swait.ge [sflag:s3], $0x80  }
0xb: {  	s6 =	simm.s32 $0x80;
	[sflag:s3] =	ssyncset.done $0x0  }
0xc: {  	s7 =	simm.s32 $0x1;
	s5 =	sadd.s32 $0xC400, s16;
	[sflag:s3] =	ssyncadd.s32 $0xFFFFFF80  }
0xd: {  	[tilespmem:s6], [sflag:$0x1] =	stream.indirect.gather [hbm4b:s5+s6], $0x80, s2, s6, $0xb8;
	[tilespmem:$0x4080] =	vst v63  }
0xe: {  	s8 =	sshll.u32 s8, $0x4;
	_ =	swait.ge [sflag:s7], $0x4000  }
0xf: {  	s19 =	sadd.s32 s8, s16;
	[sflag:s7] =	ssyncset.done $0x0  }
0x10: {  	s8 =	sadd.s32 $0x4A0200, s19;
	[sflag:s7] =	ssyncadd.s32 $0xFFFFC000  }
0x11: {  	[hbm4b:s8+s2] =	stream.linear.scatter [tilespmem:s6], [sflag:$0x2], $0x4000, $0x38;
	[tilespmem:$0x4080] =	vst v63  }
0x12: {  	_ =	swait.ge [sflag:s3], $0x4000  }
0x13: {  	[sflag:s3] =	ssyncset.done $0x0  }
0x14: {  	s9 =	sadd.s32 s9, s18;
	[sflag:s3] =	ssyncadd.s32 $0xFFFFC000  }
0x15: {  	[tilespmem:s2], [sflag:$0x2] =	stream.linear.gather [hbm4b:s9+s2], $0x80, $0x38;
	[tilespmem:$0x4080] =	vst v63  }
0x16: {  	_ =	swait.ge [sflag:s3], $0x80  }
0x17: {  	[sflag:s3] =	ssyncset.done $0x0  }
0x18: {  	s10 =	sadd.s32 $0x192E00, s16;
	[sflag:s3] =	ssyncadd.s32 $0xFFFFFF80  }
0x19: {  	[tilespmem:s6], [sflag:$0x1] =	stream.indirect.gather [hbm4b:s10+s6], $0x80, s2, s6, $0xb8;
	[tilespmem:$0x4080] =	vst v63  }
0x1a: {  	_ =	swait.ge [sflag:s7], $0x4000  }
0x1b: {  	[sflag:s7] =	ssyncset.done $0x0  }
0x1c: {  	s11 =	sadd.s32 $0x4B0200, s19;
	[sflag:s7] =	ssyncadd.s32 $0xFFFFC000  }
0x1d: {  	[hbm4b:s11+s2] =	stream.linear.scatter [tilespmem:s6], [sflag:$0x2], $0x4000, $0x38;
	[tilespmem:$0x4080] =	vst v63  }
0x1e: {  	_ =	swait.ge [sflag:s3], $0x4000  }
0x1f: {  	[sflag:s3] =	ssyncset.done $0x0  }
0x20: {  	s12 =	sadd.s32 s12, s18;
	[sflag:s3] =	ssyncadd.s32 $0xFFFFC000  }
0x21: {  	[tilespmem:s2], [sflag:$0x2] =	stream.linear.gather [hbm4b:s12+s2], $0x80, $0x38;
	[tilespmem:$0x4080] =	vst v63  }
0x22: {  	_ =	swait.ge [sflag:s3], $0x80  }
0x23: {  	[sflag:s3] =	ssyncset.done $0x0  }
0x24: {  	s13 =	sadd.s32 $0x319800, s16;
	[sflag:s3] =	ssyncadd.s32 $0xFFFFFF80  }
0x25: {  	[tilespmem:s6], [sflag:$0x1] =	stream.indirect.gather [hbm4b:s13+s6], $0x80, s2, s6, $0xb8;
	[tilespmem:$0x4080] =	vst v63  }
0x26: {  	_ =	swait.ge [sflag:s7], $0x4000  }
0x27: {  	[sflag:s7] =	ssyncset.done $0x0  }
0x28: {  	s14 =	sadd.s32 $0x4C0200, s19;
	[sflag:s7] =	ssyncadd.s32 $0xFFFFC000  }
0x29: {  	[hbm4b:s14+s2] =	stream.linear.scatter [tilespmem:s6], [sflag:$0x2], $0x4000, $0x38;
	[tilespmem:$0x4080] =	vst v63  }
0x2a: {  	_ =	swait.ge [sflag:s3], $0x4000  }
0x2b: {  	[sflag:s3] =	ssyncset.done $0x0  }
0x2c: {  	s17 =	ssub.s32 $0x2, s17;
	s15 =	sadd.s32 s15, s18;
	[sflag:s3] =	ssyncadd.s32 $0xFFFFC000  }
0x2d: {  	[tilespmem:s2], [sflag:$0x2] =	stream.linear.gather [hbm4b:s15+s2], $0x80, $0x38;
	[tilespmem:$0x4080] =	vst v63  }
0x2e: {  	s31 =	sshrl.u32 s17, $0x1;
	_ =	swait.ge [sflag:s3], $0x80  }
0x2f: {  	s18 =	ssub.s32 s17, s31;
	[sflag:s3] =	ssyncset.done $0x0  }
0x30: {  	s16 =	sadd.s32 $0xBC00, s16;
	s18 =	smax.u32 s18, $0x1;
	[sflag:s3] =	ssyncadd.s32 $0xFFFFFF80  }
0x31: {  	[tilespmem:s6], [sflag:$0x1] =	stream.indirect.gather [hbm4b:s16+s6], $0x80, s2, s6, $0xb8;
	[tilespmem:$0x4080] =	vst v63  }
0x32: {  	p0 =	sne.s32 s18, $0x1;
	_ =	swait.ge [sflag:s7], $0x4000  }
.Ltmp0:
0x33: {  	[sflag:s7] =	ssyncset.done $0x0;
	(pc) =	sbr.rel @!p0 .LBB2_2-.Ltmp0, $4  }
0x34: {  	s17 =	sadd.s32 $0x4D0200, s19;
	[sflag:s7] =	ssyncadd.s32 $0xFFFFC000  }
0x35: {  	[hbm4b:s17+s2] =	stream.linear.scatter [tilespmem:s6], [sflag:$0x2], $0x4000, $0x38;
	[tilespmem:$0x4080] =	vst v63  }
0x36: {  	_ =	swait.ge [sflag:s3], $0x4000  }
0x37: {  	s18 =	sadd.s32 $0xFFFFFFFF, s18;
	[sflag:s3] =	ssyncset.done $0x0  }
.LBB2_1:
0x38: {  	p0 =	sne.s32 s18, $0x1;
	s18 =	sadd.s32 $0xFFFFFFFF, s18;
	[sflag:s3] =	ssyncadd.s32 $0xFFFFC000  }
0x39: {  	[tilespmem:s2], [sflag:$0x2] =	stream.linear.gather [hbm4b:s4+s2], $0x80, $0x38;
	[tilespmem:$0x4080] =	vst v63  }
0x3a: {  	_ =	swait.ge [sflag:s3], $0x80  }
0x3b: {  	[sflag:s3] =	ssyncset.done $0x0  }
0x3c: {  	[sflag:s3] =	ssyncadd.s32 $0xFFFFFF80  }
0x3d: {  	[tilespmem:s6], [sflag:$0x1] =	stream.indirect.gather [hbm4b:s5+s6], $0x80, s2, s6, $0xb8;
	[tilespmem:$0x4080] =	vst v63  }
0x3e: {  	_ =	swait.ge [sflag:s7], $0x4000  }
0x3f: {  	[sflag:s7] =	ssyncset.done $0x0  }
0x40: {  	[sflag:s7] =	ssyncadd.s32 $0xFFFFC000  }
0x41: {  	[hbm4b:s8+s2] =	stream.linear.scatter [tilespmem:s6], [sflag:$0x2], $0x4000, $0x38;
	[tilespmem:$0x4080] =	vst v63  }
0x42: {  	_ =	swait.ge [sflag:s3], $0x4000  }
0x43: {  	[sflag:s3] =	ssyncset.done $0x0  }
0x44: {  	[sflag:s3] =	ssyncadd.s32 $0xFFFFC000  }
0x45: {  	[tilespmem:s2], [sflag:$0x2] =	stream.linear.gather [hbm4b:s9+s2], $0x80, $0x38;
	[tilespmem:$0x4080] =	vst v63  }
0x46: {  	_ =	swait.ge [sflag:s3], $0x80  }
0x47: {  	[sflag:s3] =	ssyncset.done $0x0  }
0x48: {  	[sflag:s3] =	ssyncadd.s32 $0xFFFFFF80  }
0x49: {  	[tilespmem:s6], [sflag:$0x1] =	stream.indirect.gather [hbm4b:s10+s6], $0x80, s2, s6, $0xb8;
	[tilespmem:$0x4080] =	vst v63  }
0x4a: {  	_ =	swait.ge [sflag:s7], $0x4000  }
0x4b: {  	[sflag:s7] =	ssyncset.done $0x0  }
0x4c: {  	[sflag:s7] =	ssyncadd.s32 $0xFFFFC000  }
0x4d: {  	[hbm4b:s11+s2] =	stream.linear.scatter [tilespmem:s6], [sflag:$0x2], $0x4000, $0x38;
	[tilespmem:$0x4080] =	vst v63  }
0x4e: {  	_ =	swait.ge [sflag:s3], $0x4000  }
0x4f: {  	[sflag:s3] =	ssyncset.done $0x0  }
0x50: {  	[sflag:s3] =	ssyncadd.s32 $0xFFFFC000  }
0x51: {  	[tilespmem:s2], [sflag:$0x2] =	stream.linear.gather [hbm4b:s12+s2], $0x80, $0x38;
	[tilespmem:$0x4080] =	vst v63  }
0x52: {  	_ =	swait.ge [sflag:s3], $0x80  }
0x53: {  	[sflag:s3] =	ssyncset.done $0x0  }
0x54: {  	[sflag:s3] =	ssyncadd.s32 $0xFFFFFF80  }
0x55: {  	[tilespmem:s6], [sflag:$0x1] =	stream.indirect.gather [hbm4b:s13+s6], $0x80, s2, s6, $0xb8;
	[tilespmem:$0x4080] =	vst v63  }
0x56: {  	_ =	swait.ge [sflag:s7], $0x4000  }
0x57: {  	[sflag:s7] =	ssyncset.done $0x0  }
0x58: {  	[sflag:s7] =	ssyncadd.s32 $0xFFFFC000  }
0x59: {  	[hbm4b:s14+s2] =	stream.linear.scatter [tilespmem:s6], [sflag:$0x2], $0x4000, $0x38;
	[tilespmem:$0x4080] =	vst v63  }
0x5a: {  	_ =	swait.ge [sflag:s3], $0x4000  }
0x5b: {  	[sflag:s3] =	ssyncset.done $0x0  }
0x5c: {  	[sflag:s3] =	ssyncadd.s32 $0xFFFFC000  }
0x5d: {  	[tilespmem:s2], [sflag:$0x2] =	stream.linear.gather [hbm4b:s15+s2], $0x80, $0x38;
	[tilespmem:$0x4080] =	vst v63  }
0x5e: {  	_ =	swait.ge [sflag:s3], $0x80  }
0x5f: {  	[sflag:s3] =	ssyncset.done $0x0  }
0x60: {  	[sflag:s3] =	ssyncadd.s32 $0xFFFFFF80  }
0x61: {  	[tilespmem:s6], [sflag:$0x1] =	stream.indirect.gather [hbm4b:s16+s6], $0x80, s2, s6, $0xb8;
	[tilespmem:$0x4080] =	vst v63  }
0x62: {  	_ =	swait.ge [sflag:s7], $0x4000  }
.Ltmp1:
0x63: {  	[sflag:s7] =	ssyncset.done $0x0;
	(pc) =	sbr.rel @p0 .LBB2_1-.Ltmp1, $4  }
0x64: {  	[sflag:s7] =	ssyncadd.s32 $0xFFFFC000  }
0x65: {  	[hbm4b:s17+s2] =	stream.linear.scatter [tilespmem:s6], [sflag:$0x2], $0x4000, $0x38;
	[tilespmem:$0x4080] =	vst v63  }
0x66: {  	_ =	swait.ge [sflag:s3], $0x4000  }
0x67: {  	[sflag:s3] =	ssyncset.done $0x0  }
.LBB2_2:
0x68: {  	[sflag:s3] =	ssyncadd.s32 $0xFFFFC000  }
0x69: {  	_ =	sfence.sel $0x180000  }
0x6a: {  	[bflag:$0x0] =	sbarrier.arrive $0xFFFF  }
0x6b: {  	p0 =	sne.s32 s0, $0x0;
	_ =	strace $0x9000004A  }
0x6c: {  	s0 =	sadd.s32 @!p0 $0x100000, s1;
	[bflag:$0x2] =	sbarrier.arrive $0xFFFF  }
0x6d: {  	[sflag:s0] =	ssyncadd.tile.s32 @!p0 $0x1;
	_ =	shalt  }
.Lfunc_end2:
_tile_overlayer_lowered:
.L_overlay_start_2:
0x6e: {  	(tag) =	ssettag $0x2  }
0x6f: {  	s0 =	rddreg [dreg:$0x0];
	s2 =	stileid.u32  }
0x70: {  	s1 =	rddreg [dreg:$0x1];
	p0 =	sne.s32 s2, $0x0  }
0x71: {  	s3 =	rddreg [dreg:$0x2];
	[bflag:$0x3] =	sbarrier.arrive $0xFFFF;
	s2 =	simm.s32 @!p0 $0x1C02  }
0x72: {  	[timem:s3], [sflag:s2] =	dma.local @!p0 [hbm:s0], s1  }
0x73: {  	s0 =	simm.s32 @!p0 $0x2  }
0x74: {  	_ =	swait.ge @!p0 [sflag:s0], s1  }
0x75: {  	s1 =	ssub.s32 @!p0 $0x0, s1;
	[sflag:s0] =	ssyncset.done @!p0 $0x0  }
0x76: {  	[sflag:s0] =	ssyncadd.s32 @!p0 s1  }
0x77: {  	[bflag:$0x3] =	sbarrier.arrive $0xFFFF  }
0x78: {  	_ =	shalt  }

</sc_bundles>
